<compile_context>
chip_gen: v7x
topology: tpu7x:2x2x1
jax: 0.10.2.dev20260603
libtpu: 0.0.44.dev20260713+nightly
codegen_flags: <defaults>
</compile_context>

<pallas_src>
import jax
import jax.numpy as jnp
from jax.experimental import pallas as pl
from jax.experimental.pallas import tpu as pltpu
from jax.experimental.pallas import tpu_sc as plsc

_N = 16
_D = 128
_GATHER_WINDOW = 256
_B = 512
_G = 8


def _sc_gather(x, flat_idx):
    n = flat_idx.shape[1]
    d = x.shape[1]
    mesh = plsc.VectorSubcoreMesh(core_axis_name="core", subcore_axis_name="subcore")

    @pl.kernel(out_type=jax.ShapeDtypeStruct((n, d), x.dtype), mesh=mesh)
    def gather_kernel(x_hbm, i_hbm, o_hbm):
        def body(i_vmem, o_vmem):
            pltpu.sync_copy(x_hbm.at[i_vmem.at[0]], o_vmem)

        pltpu.emit_pipeline(
            body,
            grid=(n // _GATHER_WINDOW,),
            in_specs=[pl.BlockSpec((1, _GATHER_WINDOW), index_map=lambda i: (0, i))],
            out_specs=[pl.BlockSpec((_GATHER_WINDOW, d), index_map=lambda i: (i, 0))],
            core_axis_name=("core", "subcore"),
            dimension_semantics=(pltpu.PARALLEL,),
        )(i_hbm, o_hbm)

    return gather_kernel(x, flat_idx)


_BF = jnp.bfloat16


def _dot(a, b):
    return jnp.dot(a, b, preferred_element_type=jnp.float32)


def _tc_block(g_ref, adj_ref, w_ref, b_ref, o_ref):
    gn = _G * _N
    ng = _B // _G
    rows_tot = _B * _N
    yb = _dot(g_ref[...].astype(_BF), w_ref[...]).astype(_BF)
    a = adj_ref[...].reshape(rows_tot, _N)
    rinv = 1.0 / (_dot(a, jnp.ones((_N, _D), _BF)) + 1e-8)
    tq = jax.lax.broadcasted_iota(jnp.int32, (_N, gn), 1)
    tj = jax.lax.broadcasted_iota(jnp.int32, (_N, gn), 0)
    tile = (tq % _N == tj).astype(_BF)
    rows = jax.lax.broadcasted_iota(jnp.int32, (gn, gn), 0)
    cols = jax.lax.broadcasted_iota(jnp.int32, (gn, gn), 1)
    mask = (rows // _N == cols // _N).astype(_BF)
    mask_all = jnp.concatenate([mask] * ng, axis=0)
    bd_all = _dot(a, tile).astype(_BF) * mask_all
    z = jnp.concatenate(
        [_dot(bd_all[g * gn:(g + 1) * gn], yb[g * gn:(g + 1) * gn])
         for g in range(ng)], axis=0)
    zb = (z * rinv + b_ref[...]).astype(_BF)
    hb = jnp.where(zb > 0, zb, jnp.exp(zb) - jnp.asarray(1.0, _BF))
    sp = jax.lax.broadcasted_iota(jnp.int32, (_G, gn), 1)
    ss = jax.lax.broadcasted_iota(jnp.int32, (_G, gn), 0)
    seg = (sp // _N == ss).astype(_BF)
    colsum = jnp.concatenate(
        [_dot(seg, hb[g * gn:(g + 1) * gn]) for g in range(ng)], axis=0)
    sumsq = jnp.concatenate(
        [_dot(seg, hb[g * gn:(g + 1) * gn] * hb[g * gn:(g + 1) * gn])
         for g in range(ng)], axis=0)
    ones_dd = jnp.ones((_D, _D), _BF)
    inv_nd = 1.0 / (_N * _D)
    mean = _dot(colsum.astype(_BF), ones_dd) * inv_nd
    var = _dot(sumsq.astype(_BF), ones_dd) * inv_nd - mean * mean
    o_ref[...] = (colsum - _N * mean) * jax.lax.rsqrt(var + 1e-5)


def _tc_call(gathered, adj_c, Wb, b2):
    n_subs = adj_c.shape[0]
    return pl.pallas_call(
        _tc_block,
        grid=(n_subs // _B,),
        in_specs=[
            pl.BlockSpec((_B * _N, _D), lambda i: (i, 0)),
            pl.BlockSpec((_B, _N, _N), lambda i: (i, 0, 0)),
            pl.BlockSpec((_D, _D), lambda i: (0, 0)),
            pl.BlockSpec((1, _D), lambda i: (0, 0)),
        ],
        out_specs=pl.BlockSpec((_B, _D), lambda i: (i, 0)),
        out_shape=jax.ShapeDtypeStruct((n_subs, _D), jnp.float32),
    )(gathered, adj_c, Wb, b2)


def kernel(x, sub_nodes, adj, W, b):
    n_subs = sub_nodes.shape[0]
    adj = adj.astype(_BF)
    Wb = W.astype(_BF)
    b2 = b.reshape(1, _D)
    idx = sub_nodes.reshape(1, n_subs * _N)
    gathered = _sc_gather(x, idx)
    return _tc_call(gathered, adj, Wb, b2)

# --- scband reference (transcript-rebuilt; emitter-appended) ---
"""Pipeline reference for scband-edge-func-55155970015732 (READ-ONLY COPY).

The authoritative reference and input builder live on the scoring server;
editing this copy changes nothing except your own understanding.
"""

import jax, jax.numpy as jnp
import numpy as np

N_NODES = 100000
D_FEAT = 128
L_DIM = 128
N_SUBS = 4096
SUB_SIZE = 16


def setup_inputs(seed: int = 0) -> dict:
    key = jax.random.key(seed)
    k0, k1, k2, k3 = jax.random.split(key, 4)
    x = jax.random.normal(k0, (N_NODES, D_FEAT), dtype=jnp.float32)
    sub_nodes = jax.random.randint(k1, (N_SUBS, SUB_SIZE), 0, N_NODES, dtype=jnp.int32)
    # random symmetric subgraph adjacency with self loops (dense per-subgraph, as nx.to_numpy_matrix produced)
    a = (jax.random.uniform(k2, (N_SUBS, SUB_SIZE, SUB_SIZE)) < 0.3).astype(jnp.float32)
    adj = jnp.maximum(a, jnp.swapaxes(a, -1, -2))
    adj = jnp.maximum(adj, jnp.eye(SUB_SIZE, dtype=jnp.float32)[None])
    W = jax.random.normal(k3, (D_FEAT, L_DIM), dtype=jnp.float32) * (1.0 / np.sqrt(D_FEAT))
    b = jnp.zeros((L_DIM,), dtype=jnp.float32)
    return {"x": x, "sub_nodes": sub_nodes, "adj": adj, "W": W, "b": b}


def reference(x, sub_nodes, adj, W, b):
    # gather per-subgraph node features: x[sub, :]  -> [S, n, d]
    h = jnp.take(x, sub_nodes, axis=0)
    # norm_g: row-normalize adjacency
    a = adj / (jnp.sum(adj, axis=-1, keepdims=True) + 1e-8)
    # GCN layer: elu(A_norm @ h @ W + b)
    h = jnp.einsum("sij,sjd->sid", a, h)
    h = jnp.einsum("sjd,dl->sjl", h, W) + b
    h = jax.nn.elu(h)
    # LayerNorm over the whole [n, l_dim] matrix per subgraph, no affine
    mean = jnp.mean(h, axis=(1, 2), keepdims=True)
    var = jnp.var(h, axis=(1, 2), keepdims=True)
    h = (h - mean) / jnp.sqrt(var + 1e-5)
    # dropout is identity in deterministic/eval reference
    # sum over subgraph nodes -> subgraph representation
    out = jnp.sum(h, axis=1)  # [S, l_dim]
    return out

if __name__ == "__main__":
    import jax
    _d = setup_inputs()
    print(jax.jit(kernel)(*tuple(_d.values())))

</pallas_src>

<mosaic_0001>
#map = affine_map<(d0, d1) -> (0, 0)>
module attributes {stable_mosaic.version = 14 : i64} {
  func.func @gather_kernel(%arg0: i32, %arg1: i32, %arg2: memref<100000x128xf32, #tpu.memory_space<hbm>>, %arg3: memref<1x65536xi32, #tpu.memory_space<hbm>>, %arg4: memref<65536x128xf32, #tpu.memory_space<hbm>>) attributes {dimension_semantics = [#tpu.dimension_semantics<core_parallel>, #tpu.dimension_semantics<subcore_parallel>], iteration_bounds = array<i64: 2, 16>, scalar_prefetch = 0 : i64, scratch_operands = 0 : i64, tpu.core_type = #tpu.core_type<sc_vector_subcore>, window_params = [{transform_indices = #map}, {transform_indices = #map}, {transform_indices = #map}]} {
    %mul3A = arith.constant 1 : i32
    %mul3A_0 = arith.muli %arg1, %mul3A : i32
    %add3A = arith.constant 0 : i32
    %add3A_1 = arith.addi %add3A, %mul3A_0 : i32
    %mul3A_2 = arith.constant 16 : i32
    %mul3A_3 = arith.muli %arg0, %mul3A_2 : i32
    %add3A_4 = arith.addi %add3A_1, %mul3A_3 : i32
    %mul3A_5 = arith.constant 8 : i32
    %mul3A_6 = arith.muli %add3A_4, %mul3A_5 : i32
    "tpu.region"() ({
      %run_scoped3A = memref.alloca() : memref<2x1x256xi32, #tpu.memory_space<vmem>>
      %run_scoped3A_7 = tpu.sem_alloc : memref<2x!tpu.dma_semaphore, #tpu.memory_space<semaphore_mem>>
      %run_scoped3A_8 = memref.alloca() : memref<2x256x128xf32, #tpu.memory_space<vmem>>
      %run_scoped3A_9 = tpu.sem_alloc : memref<2x!tpu.dma_semaphore, #tpu.memory_space<semaphore_mem>>
      %add3A_10 = arith.constant 0 : i32
      %add3A_11 = arith.addi %add3A_10, %mul3A_6 : i32
      %select_n3A = arith.constant true
      %select_n3A_12 = arith.constant 0 : i32
      %select_n3A_13 = arith.constant -1 : i32
      %select_n3A_14 = arith.select %select_n3A, %select_n3A_13, %select_n3A_12 : i32
      %eq3A = arith.constant -1 : i32
      %eq3A_15 = arith.cmpi eq, %select_n3A_14, %eq3A : i32
      %select_n3A_16 = arith.constant 7 : i32
      %select_n3A_17 = arith.select %eq3A_15, %select_n3A_16, %select_n3A_14 : i32
      %add3A_18 = arith.addi %select_n3A_17, %mul3A_6 : i32
      %select_n3A_19 = arith.constant true
      %select_n3A_20 = arith.constant 0 : i32
      %select_n3A_21 = arith.constant 1 : i32
      %select_n3A_22 = arith.select %select_n3A_19, %select_n3A_21, %select_n3A_20 : i32
      %eq3A_23 = arith.constant 8 : i32
      %eq3A_24 = arith.cmpi eq, %select_n3A_22, %eq3A_23 : i32
      %select_n3A_25 = arith.constant 0 : i32
      %select_n3A_26 = arith.select %eq3A_24, %select_n3A_25, %select_n3A_22 : i32
      %add3A_27 = arith.addi %select_n3A_26, %mul3A_6 : i32
      %add3A_28 = arith.constant 1 : i32
      %add3A_29 = arith.addi %select_n3A_26, %add3A_28 : i32
      %select_n3A_30 = arith.constant true
      %select_n3A_31 = arith.select %select_n3A_30, %add3A_29, %select_n3A_26 : i32
      %eq3A_32 = arith.constant 8 : i32
      %eq3A_33 = arith.cmpi eq, %select_n3A_31, %eq3A_32 : i32
      %select_n3A_34 = arith.constant 0 : i32
      %select_n3A_35 = arith.select %eq3A_33, %select_n3A_34, %select_n3A_31 : i32
      %add3A_36 = arith.addi %select_n3A_35, %mul3A_6 : i32
      "tpu.trace_start"() <{level = 10 : i32, message = "ep_initialize_0"}> : () -> ()
      %rem3A = arith.constant 0 : i32
      %rem3A_37 = arith.constant 2 : i32
      %rem3A_38 = arith.remui %rem3A, %rem3A_37 : i32
      %mul3A_39 = arith.constant 256 : i32
      %mul3A_40 = arith.muli %mul3A_39, %add3A_11 : i32
      %dma_start3A = arith.constant 0 : i32
      %dma_start3A_41 = arith.constant 0 : i32
      %dma_start3A_42 = tpu.memref_slice %run_scoped3A[%rem3A_38, %dma_start3A, %dma_start3A_41] : memref<2x1x256xi32, #tpu.memory_space<vmem>> -> memref<1x1x256xi32, #tpu.memory_space<vmem>>
      %dma_start3A_43 = tpu.memref_squeeze %dma_start3A_42 : memref<1x1x256xi32, #tpu.memory_space<vmem>> -> memref<1x256xi32, #tpu.memory_space<vmem>>
      %dma_start3A_44 = arith.constant 0 : i32
      %dma_start3A_45 = tpu.memref_slice %arg3[%dma_start3A_44, %mul3A_40] : memref<1x65536xi32, #tpu.memory_space<hbm>> -> memref<1x256xi32, #tpu.memory_space<hbm>>
      %dma_start3A_46 = tpu.memref_slice %run_scoped3A_7[%rem3A_38] : memref<2x!tpu.dma_semaphore, #tpu.memory_space<semaphore_mem>> -> memref<1x!tpu.dma_semaphore, #tpu.memory_space<semaphore_mem>>
      %dma_start3A_47 = tpu.memref_squeeze %dma_start3A_46 : memref<1x!tpu.dma_semaphore, #tpu.memory_space<semaphore_mem>> -> memref<!tpu.dma_semaphore, #tpu.memory_space<semaphore_mem>>
      %dma_start3A_48 = arith.constant 0 : i32
      %dma_start3A_49 = arith.constant 0 : i32
      %dma_start3A_50 = tpu.memref_slice %run_scoped3A[%rem3A_38, %dma_start3A_48, %dma_start3A_49] : memref<2x1x256xi32, #tpu.memory_space<vmem>> -> memref<1x1x256xi32, #tpu.memory_space<vmem>>
      %dma_start3A_51 = tpu.memref_squeeze %dma_start3A_50 : memref<1x1x256xi32, #tpu.memory_space<vmem>> -> memref<1x256xi32, #tpu.memory_space<vmem>>
      %dma_start3A_52 = arith.constant 0 : i32
      %dma_start3A_53 = tpu.memref_slice %arg3[%dma_start3A_52, %mul3A_40] : memref<1x65536xi32, #tpu.memory_space<hbm>> -> memref<1x256xi32, #tpu.memory_space<hbm>>
      tpu.enqueue_dma source(%dma_start3A_53 : memref<1x256xi32, #tpu.memory_space<hbm>>) target(%dma_start3A_51 : memref<1x256xi32, #tpu.memory_space<vmem>>) target_semaphore(%dma_start3A_47 : memref<!tpu.dma_semaphore, #tpu.memory_space<semaphore_mem>>)
      %add3A_54 = arith.constant 0 : i32
      %add3A_55 = arith.constant 1 : i32
      %add3A_56 = arith.addi %add3A_54, %add3A_55 : i32
      %select_n3A_57 = arith.constant true
      %select_n3A_58 = arith.constant 0 : i32
      %select_n3A_59 = arith.select %select_n3A_57, %add3A_56, %select_n3A_58 : i32
      "tpu.trace_stop"() : () -> ()
      %scan3A = arith.constant 0 : i32
      %scan3A_60 = arith.constant 0 : i32
      %scan3A_61 = arith.constant 0 : i32
      %scan3A_62 = arith.constant 0 : i32
      %scan3A_63 = arith.constant 0 : i32
      %scan3A_64 = arith.constant 8 : i32
      %scan3A_65 = arith.addi %scan3A_63, %scan3A_64 : i32
      %scan3A_66 = arith.constant 1 : i32
      %scan3A_67:5 = scf.for %scan3A_121 = %scan3A_63 to %scan3A_65 step %scan3A_66 iter_args(%scan3A_122 = %select_n3A_59, %scan3A_123 = %scan3A, %scan3A_124 = %scan3A_60, %scan3A_125 = %scan3A_61, %scan3A_126 = %scan3A_62) -> (i32, i32, i32, i32, i32)  : i32 {
        %eq3A_127 = arith.constant 0 : i32
        %eq3A_128 = arith.cmpi eq, %scan3A_121, %eq3A_127 : i32
        %eq3A_129 = arith.constant 7 : i32
        %eq3A_130 = arith.cmpi eq, %scan3A_121, %eq3A_129 : i32
        %add3A_131 = arith.addi %scan3A_126, %mul3A_6 : i32
        %sub3A_132 = arith.constant 1 : i32
        %sub3A_133 = arith.subi %scan3A_126, %sub3A_132 : i32
        %select_n3A_134 = arith.constant true
        %select_n3A_135 = arith.select %select_n3A_134, %sub3A_133, %scan3A_126 : i32
        %eq3A_136 = arith.constant -1 : i32
        %eq3A_137 = arith.cmpi eq, %select_n3A_135, %eq3A_136 : i32
        %select_n3A_138 = arith.constant 7 : i32
        %select_n3A_139 = arith.select %eq3A_137, %select_n3A_138, %select_n3A_135 : i32
        %add3A_140 = arith.addi %select_n3A_139, %mul3A_6 : i32
        %add3A_141 = arith.constant 1 : i32
        %add3A_142 = arith.addi %scan3A_126, %add3A_141 : i32
        %select_n3A_143 = arith.constant true
        %select_n3A_144 = arith.select %select_n3A_143, %add3A_142, %scan3A_126 : i32
        %eq3A_145 = arith.constant 8 : i32
        %eq3A_146 = arith.cmpi eq, %select_n3A_144, %eq3A_145 : i32
        %select_n3A_147 = arith.constant 0 : i32
        %select_n3A_148 = arith.select %eq3A_146, %select_n3A_147, %select_n3A_144 : i32
        %add3A_149 = arith.addi %select_n3A_148, %mul3A_6 : i32
        %add3A_150 = arith.constant 1 : i32
        %add3A_151 = arith.addi %select_n3A_148, %add3A_150 : i32
        %select_n3A_152 = arith.constant true
        %select_n3A_153 = arith.select %select_n3A_152, %add3A_151, %select_n3A_148 : i32
        %eq3A_154 = arith.constant 8 : i32
        %eq3A_155 = arith.cmpi eq, %select_n3A_153, %eq3A_154 : i32
        %select_n3A_156 = arith.constant 0 : i32
        %select_n3A_157 = arith.select %eq3A_155, %select_n3A_156, %select_n3A_153 : i32
        %add3A_158 = arith.addi %select_n3A_157, %mul3A_6 : i32
        %ne3A = arith.cmpi ne, %add3A_131, %add3A_149 : i32
        %or3A = arith.constant false
        %or3A_159 = arith.ori %or3A, %ne3A : i1
        %ge3A = arith.constant 7 : i32
        %ge3A_160 = arith.cmpi sge, %scan3A_121, %ge3A : i32
        %not3A = arith.constant true
        %not3A_161 = arith.xori %ge3A_160, %not3A : i1
        %and3A = arith.andi %or3A_159, %not3A_161 : i1
        %convert_element_type3A = arith.extui %and3A : i1 to i32
        %cond3A = arith.constant 0 : i32
        %cond3A_162 = arith.cmpi ne, %convert_element_type3A, %cond3A : i32
        scf.if %cond3A_162 {
          "tpu.trace_start"() <{level = 10 : i32, message = "ep_copy_in"}> : () -> ()
          %rem3A_264 = arith.constant 2 : i32
          %rem3A_265 = arith.remui %scan3A_122, %rem3A_264 : i32
          %mul3A_266 = arith.constant 256 : i32
          %mul3A_267 = arith.muli %mul3A_266, %add3A_149 : i32
          %dma_start3A_268 = arith.constant 0 : i32
          %dma_start3A_269 = arith.constant 0 : i32
          %dma_start3A_270 = tpu.memref_slice %run_scoped3A[%rem3A_265, %dma_start3A_268, %dma_start3A_269] : memref<2x1x256xi32, #tpu.memory_space<vmem>> -> memref<1x1x256xi32, #tpu.memory_space<vmem>>
          %dma_start3A_271 = tpu.memref_squeeze %dma_start3A_270 : memref<1x1x256xi32, #tpu.memory_space<vmem>> -> memref<1x256xi32, #tpu.memory_space<vmem>>
          %dma_start3A_272 = arith.constant 0 : i32
          %dma_start3A_273 = tpu.memref_slice %arg3[%dma_start3A_272, %mul3A_267] : memref<1x65536xi32, #tpu.memory_space<hbm>> -> memref<1x256xi32, #tpu.memory_space<hbm>>
          %dma_start3A_274 = tpu.memref_slice %run_scoped3A_7[%rem3A_265] : memref<2x!tpu.dma_semaphore, #tpu.memory_space<semaphore_mem>> -> memref<1x!tpu.dma_semaphore, #tpu.memory_space<semaphore_mem>>
          %dma_start3A_275 = tpu.memref_squeeze %dma_start3A_274 : memref<1x!tpu.dma_semaphore, #tpu.memory_space<semaphore_mem>> -> memref<!tpu.dma_semaphore, #tpu.memory_space<semaphore_mem>>
          %dma_start3A_276 = arith.constant 0 : i32
          %dma_start3A_277 = arith.constant 0 : i32
          %dma_start3A_278 = tpu.memref_slice %run_scoped3A[%rem3A_265, %dma_start3A_276, %dma_start3A_277] : memref<2x1x256xi32, #tpu.memory_space<vmem>> -> memref<1x1x256xi32, #tpu.memory_space<vmem>>
          %dma_start3A_279 = tpu.memref_squeeze %dma_start3A_278 : memref<1x1x256xi32, #tpu.memory_space<vmem>> -> memref<1x256xi32, #tpu.memory_space<vmem>>
          %dma_start3A_280 = arith.constant 0 : i32
          %dma_start3A_281 = tpu.memref_slice %arg3[%dma_start3A_280, %mul3A_267] : memref<1x65536xi32, #tpu.memory_space<hbm>> -> memref<1x256xi32, #tpu.memory_space<hbm>>
          tpu.enqueue_dma source(%dma_start3A_281 : memref<1x256xi32, #tpu.memory_space<hbm>>) target(%dma_start3A_279 : memref<1x256xi32, #tpu.memory_space<vmem>>) target_semaphore(%dma_start3A_275 : memref<!tpu.dma_semaphore, #tpu.memory_space<semaphore_mem>>)
          "tpu.trace_stop"() : () -> ()
        } else {
        }
        %and3A_163 = arith.constant true
        %and3A_164 = arith.andi %and3A, %and3A_163 : i1
        %add3A_165 = arith.constant 1 : i32
        %add3A_166 = arith.addi %scan3A_122, %add3A_165 : i32
        %select_n3A_167 = arith.select %and3A_164, %add3A_166, %scan3A_122 : i32
        %ne3A_168 = arith.cmpi ne, %add3A_131, %add3A_149 : i32
        %or3A_169 = arith.constant false
        %or3A_170 = arith.ori %or3A_169, %ne3A_168 : i1
        %or3A_171 = arith.constant false
        %or3A_172 = arith.ori %or3A_170, %or3A_171 : i1
        %ge3A_173 = arith.constant 7 : i32
        %ge3A_174 = arith.cmpi sge, %scan3A_121, %ge3A_173 : i32
        %not3A_175 = arith.constant true
        %not3A_176 = arith.xori %ge3A_174, %not3A_175 : i1
        %and3A_177 = arith.andi %or3A_172, %not3A_176 : i1
        %ne3A_178 = arith.cmpi ne, %add3A_131, %add3A_140 : i32
        %or3A_179 = arith.constant false
        %or3A_180 = arith.ori %or3A_179, %ne3A_178 : i1
        %or3A_181 = arith.ori %or3A_180, %eq3A_128 : i1
        %convert_element_type3A_182 = arith.extui %or3A_181 : i1 to i32
        %cond3A_183 = arith.constant 0 : i32
        %cond3A_184 = arith.cmpi ne, %convert_element_type3A_182, %cond3A_183 : i32
        scf.if %cond3A_184 {
          "tpu.trace_start"() <{level = 10 : i32, message = "ep_wait_in"}> : () -> ()
          %mul3A_264 = arith.constant 256 : i32
          %mul3A_265 = arith.muli %mul3A_264, %add3A_131 : i32
          %rem3A_266 = arith.constant 2 : i32
          %rem3A_267 = arith.remui %scan3A_123, %rem3A_266 : i32
          %dma_wait3A_268 = arith.constant 0 : i32
          %dma_wait3A_269 = arith.constant 0 : i32
          %dma_wait3A_270 = tpu.memref_slice %run_scoped3A[%rem3A_267, %dma_wait3A_268, %dma_wait3A_269] : memref<2x1x256xi32, #tpu.memory_space<vmem>> -> memref<1x1x256xi32, #tpu.memory_space<vmem>>
          %dma_wait3A_271 = tpu.memref_squeeze %dma_wait3A_270 : memref<1x1x256xi32, #tpu.memory_space<vmem>> -> memref<1x256xi32, #tpu.memory_space<vmem>>
          %dma_wait3A_272 = arith.constant 0 : i32
          %dma_wait3A_273 = tpu.memref_slice %arg3[%dma_wait3A_272, %mul3A_265] : memref<1x65536xi32, #tpu.memory_space<hbm>> -> memref<1x256xi32, #tpu.memory_space<hbm>>
          %dma_wait3A_274 = tpu.memref_slice %run_scoped3A_7[%rem3A_267] : memref<2x!tpu.dma_semaphore, #tpu.memory_space<semaphore_mem>> -> memref<1x!tpu.dma_semaphore, #tpu.memory_space<semaphore_mem>>
          %dma_wait3A_275 = tpu.memref_squeeze %dma_wait3A_274 : memref<1x!tpu.dma_semaphore, #tpu.memory_space<semaphore_mem>> -> memref<!tpu.dma_semaphore, #tpu.memory_space<semaphore_mem>>
          %dma_wait3A_276 = arith.constant 0 : i32
          %dma_wait3A_277 = arith.constant 0 : i32
          %dma_wait3A_278 = tpu.memref_slice %run_scoped3A[%rem3A_267, %dma_wait3A_276, %dma_wait3A_277] : memref<2x1x256xi32, #tpu.memory_space<vmem>> -> memref<1x1x256xi32, #tpu.memory_space<vmem>>
          %dma_wait3A_279 = tpu.memref_squeeze %dma_wait3A_278 : memref<1x1x256xi32, #tpu.memory_space<vmem>> -> memref<1x256xi32, #tpu.memory_space<vmem>>
          %dma_wait3A_280 = arith.constant 0 : i32
          %dma_wait3A_281 = tpu.memref_slice %arg3[%dma_wait3A_280, %mul3A_265] : memref<1x65536xi32, #tpu.memory_space<hbm>> -> memref<1x256xi32, #tpu.memory_space<hbm>>
          tpu.wait_dma2 semaphore(%dma_wait3A_275 : memref<!tpu.dma_semaphore, #tpu.memory_space<semaphore_mem>>) src(%dma_wait3A_281 : memref<1x256xi32, #tpu.memory_space<hbm>>) dst(%dma_wait3A_279 : memref<1x256xi32, #tpu.memory_space<vmem>>)
          "tpu.trace_stop"() : () -> ()
        } else {
        }
        %ne3A_185 = arith.cmpi ne, %add3A_131, %add3A_140 : i32
        %or3A_186 = arith.constant false
        %or3A_187 = arith.ori %or3A_186, %ne3A_185 : i1
        %or3A_188 = arith.constant false
        %or3A_189 = arith.ori %or3A_187, %or3A_188 : i1
        %or3A_190 = arith.ori %or3A_189, %eq3A_128 : i1
        %convert_element_type3A_191 = arith.extui %or3A_190 : i1 to i32
        %cond3A_192 = arith.constant 0 : i32
        %cond3A_193 = arith.cmpi ne, %convert_element_type3A_191, %cond3A_192 : i32
        scf.if %cond3A_193 {
        } else {
        }
        %rem3A_194 = arith.constant 2 : i32
        %rem3A_195 = arith.remui %scan3A_123, %rem3A_194 : i32
        %rem3A_196 = arith.constant 2 : i32
        %rem3A_197 = arith.remui %scan3A_124, %rem3A_196 : i32
        %run_scoped3A_198 = arith.constant 0 : i32
        "tpu.trace_start"() <{level = 10 : i32, message = "ep_run_kernel"}> : () -> ()
        "tpu.region"() ({
          %run_scoped3A_264 = tpu.sem_alloc : memref<!tpu.dma_semaphore, #tpu.memory_space<semaphore_mem>>
          %dma_start3A_265 = arith.constant 0 : i32
          %dma_start3A_266 = arith.constant 0 : i32
          %dma_start3A_267 = tpu.memref_slice %run_scoped3A_8[%rem3A_197, %dma_start3A_265, %dma_start3A_266] : memref<2x256x128xf32, #tpu.memory_space<vmem>> -> memref<1x256x128xf32, #tpu.memory_space<vmem>>
          %dma_start3A_268 = tpu.memref_squeeze %dma_start3A_267 : memref<1x256x128xf32, #tpu.memory_space<vmem>> -> memref<256x128xf32, #tpu.memory_space<vmem>>
          %dma_start3A_269 = arith.constant 0 : i32
          %dma_start3A_270 = arith.constant 0 : i32
          %dma_start3A_271 = tpu.memref_slice %run_scoped3A[%rem3A_195, %dma_start3A_269, %dma_start3A_270] : memref<2x1x256xi32, #tpu.memory_space<vmem>> -> memref<1x1x256xi32, #tpu.memory_space<vmem>>
          %dma_start3A_272 = tpu.memref_squeeze %dma_start3A_271 : memref<1x1x256xi32, #tpu.memory_space<vmem>> -> memref<1x256xi32, #tpu.memory_space<vmem>>
          %dma_start3A_273 = arith.constant 0 : i32
          %dma_start3A_274 = tpu.memref_slice %dma_start3A_272[%run_scoped3A_198, %dma_start3A_273] : memref<1x256xi32, #tpu.memory_space<vmem>> -> memref<1x256xi32, #tpu.memory_space<vmem>>
          %dma_start3A_275 = tpu.memref_squeeze %dma_start3A_274 : memref<1x256xi32, #tpu.memory_space<vmem>> -> memref<256xi32, #tpu.memory_space<vmem>>
          %dma_start3A_276 = arith.constant 0 : i32
          %dma_start3A_277 = arith.constant 0 : i32
          %dma_start3A_278 = tpu.memref_slice %arg2[%dma_start3A_276, %dma_start3A_277] : memref<100000x128xf32, #tpu.memory_space<hbm>> -> memref<100000x128xf32, #tpu.memory_space<hbm>>
          tpu.enqueue_indirect_dma source(%dma_start3A_278 : memref<100000x128xf32, #tpu.memory_space<hbm>>) target(%dma_start3A_268 : memref<256x128xf32, #tpu.memory_space<vmem>>) offsets(%dma_start3A_275 : memref<256xi32, #tpu.memory_space<vmem>>) semaphore(%run_scoped3A_264 : memref<!tpu.dma_semaphore, #tpu.memory_space<semaphore_mem>>)
          %dma_wait3A_279 = arith.constant 0 : i32
          %dma_wait3A_280 = arith.constant 0 : i32
          %dma_wait3A_281 = tpu.memref_slice %run_scoped3A_8[%rem3A_197, %dma_wait3A_279, %dma_wait3A_280] : memref<2x256x128xf32, #tpu.memory_space<vmem>> -> memref<1x256x128xf32, #tpu.memory_space<vmem>>
          %dma_wait3A_282 = tpu.memref_squeeze %dma_wait3A_281 : memref<1x256x128xf32, #tpu.memory_space<vmem>> -> memref<256x128xf32, #tpu.memory_space<vmem>>
          %dma_wait3A_283 = arith.constant 0 : i32
          %dma_wait3A_284 = arith.constant 0 : i32
          %dma_wait3A_285 = tpu.memref_slice %run_scoped3A[%rem3A_195, %dma_wait3A_283, %dma_wait3A_284] : memref<2x1x256xi32, #tpu.memory_space<vmem>> -> memref<1x1x256xi32, #tpu.memory_space<vmem>>
          %dma_wait3A_286 = tpu.memref_squeeze %dma_wait3A_285 : memref<1x1x256xi32, #tpu.memory_space<vmem>> -> memref<1x256xi32, #tpu.memory_space<vmem>>
          %dma_wait3A_287 = arith.constant 0 : i32
          %dma_wait3A_288 = tpu.memref_slice %dma_wait3A_286[%run_scoped3A_198, %dma_wait3A_287] : memref<1x256xi32, #tpu.memory_space<vmem>> -> memref<1x256xi32, #tpu.memory_space<vmem>>
          %dma_wait3A_289 = tpu.memref_squeeze %dma_wait3A_288 : memref<1x256xi32, #tpu.memory_space<vmem>> -> memref<256xi32, #tpu.memory_space<vmem>>
          %dma_wait3A_290 = arith.constant 0 : i32
          %dma_wait3A_291 = arith.constant 0 : i32
          %dma_wait3A_292 = tpu.memref_slice %arg2[%dma_wait3A_290, %dma_wait3A_291] : memref<100000x128xf32, #tpu.memory_space<hbm>> -> memref<100000x128xf32, #tpu.memory_space<hbm>>
          tpu.wait_indirect_dma semaphore(%run_scoped3A_264 : memref<!tpu.dma_semaphore, #tpu.memory_space<semaphore_mem>>) src(%dma_wait3A_292 : memref<100000x128xf32, #tpu.memory_space<hbm>>) dst(%dma_wait3A_282 : memref<256x128xf32, #tpu.memory_space<vmem>>)
          tpu.yield
        }) : () -> ()
        "tpu.trace_stop"() : () -> ()
        %ne3A_199 = arith.cmpi ne, %add3A_131, %add3A_149 : i32
        %or3A_200 = arith.constant false
        %or3A_201 = arith.ori %or3A_200, %ne3A_199 : i1
        %or3A_202 = arith.ori %or3A_201, %eq3A_130 : i1
        %convert_element_type3A_203 = arith.extui %or3A_202 : i1 to i32
        %cond3A_204 = arith.constant 0 : i32
        %cond3A_205 = arith.cmpi ne, %convert_element_type3A_203, %cond3A_204 : i32
        scf.if %cond3A_205 {
        } else {
        }
        %and3A_206 = arith.constant false
        %and3A_207 = arith.andi %or3A_202, %and3A_206 : i1
        %ne3A_208 = arith.cmpi ne, %add3A_131, %add3A_149 : i32
        %or3A_209 = arith.constant false
        %or3A_210 = arith.ori %or3A_209, %ne3A_208 : i1
        %or3A_211 = arith.constant false
        %or3A_212 = arith.ori %or3A_210, %or3A_211 : i1
        %or3A_213 = arith.ori %or3A_212, %eq3A_130 : i1
        %convert_element_type3A_214 = arith.extui %or3A_213 : i1 to i32
        %cond3A_215 = arith.constant 0 : i32
        %cond3A_216 = arith.cmpi ne, %convert_element_type3A_214, %cond3A_215 : i32
        scf.if %cond3A_216 {
          "tpu.trace_start"() <{level = 10 : i32, message = "ep_copy_out"}> : () -> ()
          %rem3A_264 = arith.constant 2 : i32
          %rem3A_265 = arith.remui %scan3A_124, %rem3A_264 : i32
          %mul3A_266 = arith.constant 256 : i32
          %mul3A_267 = arith.muli %mul3A_266, %add3A_131 : i32
          %dma_start3A_268 = arith.constant 0 : i32
          %dma_start3A_269 = arith.constant 0 : i32
          %dma_start3A_270 = tpu.memref_slice %run_scoped3A_8[%rem3A_265, %dma_start3A_268, %dma_start3A_269] : memref<2x256x128xf32, #tpu.memory_space<vmem>> -> memref<1x256x128xf32, #tpu.memory_space<vmem>>
          %dma_start3A_271 = tpu.memref_squeeze %dma_start3A_270 : memref<1x256x128xf32, #tpu.memory_space<vmem>> -> memref<256x128xf32, #tpu.memory_space<vmem>>
          %dma_start3A_272 = arith.constant 0 : i32
          %dma_start3A_273 = tpu.memref_slice %arg4[%mul3A_267, %dma_start3A_272] : memref<65536x128xf32, #tpu.memory_space<hbm>> -> memref<256x128xf32, #tpu.memory_space<hbm>>
          %dma_start3A_274 = tpu.memref_slice %run_scoped3A_9[%rem3A_265] : memref<2x!tpu.dma_semaphore, #tpu.memory_space<semaphore_mem>> -> memref<1x!tpu.dma_semaphore, #tpu.memory_space<semaphore_mem>>
          %dma_start3A_275 = tpu.memref_squeeze %dma_start3A_274 : memref<1x!tpu.dma_semaphore, #tpu.memory_space<semaphore_mem>> -> memref<!tpu.dma_semaphore, #tpu.memory_space<semaphore_mem>>
          %dma_start3A_276 = arith.constant 0 : i32
          %dma_start3A_277 = tpu.memref_slice %arg4[%mul3A_267, %dma_start3A_276] : memref<65536x128xf32, #tpu.memory_space<hbm>> -> memref<256x128xf32, #tpu.memory_space<hbm>>
          %dma_start3A_278 = arith.constant 0 : i32
          %dma_start3A_279 = arith.constant 0 : i32
          %dma_start3A_280 = tpu.memref_slice %run_scoped3A_8[%rem3A_265, %dma_start3A_278, %dma_start3A_279] : memref<2x256x128xf32, #tpu.memory_space<vmem>> -> memref<1x256x128xf32, #tpu.memory_space<vmem>>
          %dma_start3A_281 = tpu.memref_squeeze %dma_start3A_280 : memref<1x256x128xf32, #tpu.memory_space<vmem>> -> memref<256x128xf32, #tpu.memory_space<vmem>>
          tpu.enqueue_dma source(%dma_start3A_281 : memref<256x128xf32, #tpu.memory_space<vmem>>) target(%dma_start3A_277 : memref<256x128xf32, #tpu.memory_space<hbm>>) target_semaphore(%dma_start3A_275 : memref<!tpu.dma_semaphore, #tpu.memory_space<semaphore_mem>>)
          "tpu.trace_stop"() : () -> ()
        } else {
        }
        %and3A_217 = arith.constant true
        %and3A_218 = arith.andi %or3A_213, %and3A_217 : i1
        %add3A_219 = arith.constant 1 : i32
        %add3A_220 = arith.addi %scan3A_124, %add3A_219 : i32
        %select_n3A_221 = arith.select %and3A_218, %add3A_220, %scan3A_124 : i32
        %ne3A_222 = arith.cmpi ne, %add3A_131, %add3A_140 : i32
        %or3A_223 = arith.constant false
        %or3A_224 = arith.ori %or3A_223, %ne3A_222 : i1
        %not3A_225 = arith.constant true
        %not3A_226 = arith.xori %eq3A_128, %not3A_225 : i1
        %and3A_227 = arith.andi %or3A_224, %not3A_226 : i1
        %convert_element_type3A_228 = arith.extui %and3A_227 : i1 to i32
        %cond3A_229 = arith.constant 0 : i32
        %cond3A_230 = arith.cmpi ne, %convert_element_type3A_228, %cond3A_229 : i32
        scf.if %cond3A_230 {
        } else {
        }
        %and3A_231 = arith.constant false
        %and3A_232 = arith.andi %and3A_227, %and3A_231 : i1
        %ne3A_233 = arith.cmpi ne, %add3A_131, %add3A_140 : i32
        %or3A_234 = arith.constant false
        %or3A_235 = arith.ori %or3A_234, %ne3A_233 : i1
        %or3A_236 = arith.constant false
        %or3A_237 = arith.ori %or3A_235, %or3A_236 : i1
        %not3A_238 = arith.constant true
        %not3A_239 = arith.xori %eq3A_128, %not3A_238 : i1
        %and3A_240 = arith.andi %or3A_237, %not3A_239 : i1
        %convert_element_type3A_241 = arith.extui %and3A_240 : i1 to i32
        %cond3A_242 = arith.constant 0 : i32
        %cond3A_243 = arith.cmpi ne, %convert_element_type3A_241, %cond3A_242 : i32
        scf.if %cond3A_243 {
          "tpu.trace_start"() <{level = 10 : i32, message = "ep_wait_out"}> : () -> ()
          %rem3A_264 = arith.constant 2 : i32
          %rem3A_265 = arith.remui %scan3A_125, %rem3A_264 : i32
          %mul3A_266 = arith.constant 256 : i32
          %mul3A_267 = arith.muli %mul3A_266, %add3A_140 : i32
          %dma_wait3A_268 = arith.constant 0 : i32
          %dma_wait3A_269 = arith.constant 0 : i32
          %dma_wait3A_270 = tpu.memref_slice %run_scoped3A_8[%rem3A_265, %dma_wait3A_268, %dma_wait3A_269] : memref<2x256x128xf32, #tpu.memory_space<vmem>> -> memref<1x256x128xf32, #tpu.memory_space<vmem>>
          %dma_wait3A_271 = tpu.memref_squeeze %dma_wait3A_270 : memref<1x256x128xf32, #tpu.memory_space<vmem>> -> memref<256x128xf32, #tpu.memory_space<vmem>>
          %dma_wait3A_272 = arith.constant 0 : i32
          %dma_wait3A_273 = tpu.memref_slice %arg4[%mul3A_267, %dma_wait3A_272] : memref<65536x128xf32, #tpu.memory_space<hbm>> -> memref<256x128xf32, #tpu.memory_space<hbm>>
          %dma_wait3A_274 = tpu.memref_slice %run_scoped3A_9[%rem3A_265] : memref<2x!tpu.dma_semaphore, #tpu.memory_space<semaphore_mem>> -> memref<1x!tpu.dma_semaphore, #tpu.memory_space<semaphore_mem>>
          %dma_wait3A_275 = tpu.memref_squeeze %dma_wait3A_274 : memref<1x!tpu.dma_semaphore, #tpu.memory_space<semaphore_mem>> -> memref<!tpu.dma_semaphore, #tpu.memory_space<semaphore_mem>>
          %dma_wait3A_276 = arith.constant 0 : i32
          %dma_wait3A_277 = tpu.memref_slice %arg4[%mul3A_267, %dma_wait3A_276] : memref<65536x128xf32, #tpu.memory_space<hbm>> -> memref<256x128xf32, #tpu.memory_space<hbm>>
          %dma_wait3A_278 = arith.constant 0 : i32
          %dma_wait3A_279 = arith.constant 0 : i32
          %dma_wait3A_280 = tpu.memref_slice %run_scoped3A_8[%rem3A_265, %dma_wait3A_278, %dma_wait3A_279] : memref<2x256x128xf32, #tpu.memory_space<vmem>> -> memref<1x256x128xf32, #tpu.memory_space<vmem>>
          %dma_wait3A_281 = tpu.memref_squeeze %dma_wait3A_280 : memref<1x256x128xf32, #tpu.memory_space<vmem>> -> memref<256x128xf32, #tpu.memory_space<vmem>>
          tpu.wait_dma2 semaphore(%dma_wait3A_275 : memref<!tpu.dma_semaphore, #tpu.memory_space<semaphore_mem>>) src(%dma_wait3A_281 : memref<256x128xf32, #tpu.memory_space<vmem>>) dst(%dma_wait3A_277 : memref<256x128xf32, #tpu.memory_space<hbm>>)
          "tpu.trace_stop"() : () -> ()
        } else {
        }
        %and3A_244 = arith.constant true
        %and3A_245 = arith.andi %and3A_240, %and3A_244 : i1
        %add3A_246 = arith.constant 1 : i32
        %add3A_247 = arith.addi %scan3A_125, %add3A_246 : i32
        %select_n3A_248 = arith.select %and3A_245, %add3A_247, %scan3A_125 : i32
        %ne3A_249 = arith.cmpi ne, %add3A_131, %add3A_149 : i32
        %or3A_250 = arith.constant false
        %or3A_251 = arith.ori %or3A_250, %ne3A_249 : i1
        %or3A_252 = arith.ori %or3A_251, %eq3A_130 : i1
        %add3A_253 = arith.constant 1 : i32
        %add3A_254 = arith.addi %scan3A_123, %add3A_253 : i32
        %select_n3A_255 = arith.select %or3A_252, %add3A_254, %scan3A_123 : i32
        %add3A_256 = arith.constant 1 : i32
        %add3A_257 = arith.addi %scan3A_126, %add3A_256 : i32
        %select_n3A_258 = arith.constant true
        %select_n3A_259 = arith.select %select_n3A_258, %add3A_257, %scan3A_126 : i32
        %eq3A_260 = arith.constant 8 : i32
        %eq3A_261 = arith.cmpi eq, %select_n3A_259, %eq3A_260 : i32
        %select_n3A_262 = arith.constant 0 : i32
        %select_n3A_263 = arith.select %eq3A_261, %select_n3A_262, %select_n3A_259 : i32
        scf.yield %select_n3A_167, %select_n3A_255, %select_n3A_221, %select_n3A_248, %select_n3A_263 : i32, i32, i32, i32, i32
      }
      %scan3A_68 = arith.constant 8 : i32
      %sub3A = arith.constant 1 : i32
      %sub3A_69 = arith.subi %scan3A_67#4, %sub3A : i32
      %select_n3A_70 = arith.constant true
      %select_n3A_71 = arith.select %select_n3A_70, %sub3A_69, %scan3A_67#4 : i32
      %eq3A_72 = arith.constant -1 : i32
      %eq3A_73 = arith.cmpi eq, %select_n3A_71, %eq3A_72 : i32
      %select_n3A_74 = arith.constant 7 : i32
      %select_n3A_75 = arith.select %eq3A_73, %select_n3A_74, %select_n3A_71 : i32
      %add3A_76 = arith.addi %select_n3A_75, %mul3A_6 : i32
      %sub3A_77 = arith.constant 1 : i32
      %sub3A_78 = arith.subi %select_n3A_75, %sub3A_77 : i32
      %select_n3A_79 = arith.constant true
      %select_n3A_80 = arith.select %select_n3A_79, %sub3A_78, %select_n3A_75 : i32
      %eq3A_81 = arith.constant -1 : i32
      %eq3A_82 = arith.cmpi eq, %select_n3A_80, %eq3A_81 : i32
      %select_n3A_83 = arith.constant 7 : i32
      %select_n3A_84 = arith.select %eq3A_82, %select_n3A_83, %select_n3A_80 : i32
      %add3A_85 = arith.addi %select_n3A_84, %mul3A_6 : i32
      %add3A_86 = arith.constant 1 : i32
      %add3A_87 = arith.addi %select_n3A_75, %add3A_86 : i32
      %select_n3A_88 = arith.constant true
      %select_n3A_89 = arith.select %select_n3A_88, %add3A_87, %select_n3A_75 : i32
      %eq3A_90 = arith.constant 8 : i32
      %eq3A_91 = arith.cmpi eq, %select_n3A_89, %eq3A_90 : i32
      %select_n3A_92 = arith.constant 0 : i32
      %select_n3A_93 = arith.select %eq3A_91, %select_n3A_92, %select_n3A_89 : i32
      %add3A_94 = arith.addi %select_n3A_93, %mul3A_6 : i32
      %add3A_95 = arith.constant 1 : i32
      %add3A_96 = arith.addi %select_n3A_93, %add3A_95 : i32
      %select_n3A_97 = arith.constant true
      %select_n3A_98 = arith.select %select_n3A_97, %add3A_96, %select_n3A_93 : i32
      %eq3A_99 = arith.constant 8 : i32
      %eq3A_100 = arith.cmpi eq, %select_n3A_98, %eq3A_99 : i32
      %select_n3A_101 = arith.constant 0 : i32
      %select_n3A_102 = arith.select %eq3A_100, %select_n3A_101, %select_n3A_98 : i32
      %add3A_103 = arith.addi %select_n3A_102, %mul3A_6 : i32
      "tpu.trace_start"() <{level = 10 : i32, message = "ep_finalize"}> : () -> ()
      %rem3A_104 = arith.constant 2 : i32
      %rem3A_105 = arith.remui %scan3A_67#3, %rem3A_104 : i32
      %mul3A_106 = arith.constant 256 : i32
      %mul3A_107 = arith.muli %mul3A_106, %add3A_76 : i32
      %dma_wait3A = arith.constant 0 : i32
      %dma_wait3A_108 = arith.constant 0 : i32
      %dma_wait3A_109 = tpu.memref_slice %run_scoped3A_8[%rem3A_105, %dma_wait3A, %dma_wait3A_108] : memref<2x256x128xf32, #tpu.memory_space<vmem>> -> memref<1x256x128xf32, #tpu.memory_space<vmem>>
      %dma_wait3A_110 = tpu.memref_squeeze %dma_wait3A_109 : memref<1x256x128xf32, #tpu.memory_space<vmem>> -> memref<256x128xf32, #tpu.memory_space<vmem>>
      %dma_wait3A_111 = arith.constant 0 : i32
      %dma_wait3A_112 = tpu.memref_slice %arg4[%mul3A_107, %dma_wait3A_111] : memref<65536x128xf32, #tpu.memory_space<hbm>> -> memref<256x128xf32, #tpu.memory_space<hbm>>
      %dma_wait3A_113 = tpu.memref_slice %run_scoped3A_9[%rem3A_105] : memref<2x!tpu.dma_semaphore, #tpu.memory_space<semaphore_mem>> -> memref<1x!tpu.dma_semaphore, #tpu.memory_space<semaphore_mem>>
      %dma_wait3A_114 = tpu.memref_squeeze %dma_wait3A_113 : memref<1x!tpu.dma_semaphore, #tpu.memory_space<semaphore_mem>> -> memref<!tpu.dma_semaphore, #tpu.memory_space<semaphore_mem>>
      %dma_wait3A_115 = arith.constant 0 : i32
      %dma_wait3A_116 = tpu.memref_slice %arg4[%mul3A_107, %dma_wait3A_115] : memref<65536x128xf32, #tpu.memory_space<hbm>> -> memref<256x128xf32, #tpu.memory_space<hbm>>
      %dma_wait3A_117 = arith.constant 0 : i32
      %dma_wait3A_118 = arith.constant 0 : i32
      %dma_wait3A_119 = tpu.memref_slice %run_scoped3A_8[%rem3A_105, %dma_wait3A_117, %dma_wait3A_118] : memref<2x256x128xf32, #tpu.memory_space<vmem>> -> memref<1x256x128xf32, #tpu.memory_space<vmem>>
      %dma_wait3A_120 = tpu.memref_squeeze %dma_wait3A_119 : memref<1x256x128xf32, #tpu.memory_space<vmem>> -> memref<256x128xf32, #tpu.memory_space<vmem>>
      tpu.wait_dma2 semaphore(%dma_wait3A_114 : memref<!tpu.dma_semaphore, #tpu.memory_space<semaphore_mem>>) src(%dma_wait3A_120 : memref<256x128xf32, #tpu.memory_space<vmem>>) dst(%dma_wait3A_116 : memref<256x128xf32, #tpu.memory_space<hbm>>)
      "tpu.trace_stop"() : () -> ()
      tpu.yield
    }) : () -> ()
    return
  }
}

module attributes {stable_mosaic.version = 14 : i64} {
  func.func @_tc_block(%arg0: i32, %arg1: memref<8192x128xf32, #tpu.memory_space<vmem>>, %arg2: memref<512x16x16xbf16, #tpu.memory_space<vmem>>, %arg3: memref<128x128xbf16, #tpu.memory_space<vmem>>, %arg4: memref<1x128xf32, #tpu.memory_space<vmem>>, %arg5: memref<512x128xf32, #tpu.memory_space<vmem>>) attributes {dimension_semantics = [#tpu.dimension_semantics<arbitrary>], iteration_bounds = array<i64: 8>, scalar_prefetch = 0 : i64, scratch_operands = 0 : i64, tpu.core_type = #tpu.core_type<tc>, window_params = [{transform_indices = @transform_0, window_bounds = array<i64: 8192, 128>}, {transform_indices = @transform_1, window_bounds = array<i64: 512, 16, 16>}, {pipeline_mode = #tpu.pipeline_mode<synchronous>, transform_indices = @transform_2, window_bounds = array<i64: 128, 128>}, {pipeline_mode = #tpu.pipeline_mode<synchronous>, transform_indices = @transform_3, window_bounds = array<i64: 1, 128>}, {transform_indices = @transform_4, window_bounds = array<i64: 512, 128>}]} {
    %get3A = arith.constant 0 : index
    %get3A_0 = arith.constant 0 : index
    %get3A_1 = vector.load %arg1[%get3A, %get3A_0] : memref<8192x128xf32, #tpu.memory_space<vmem>>, vector<8192x128xf32>
    %convert_element_type3A = arith.truncf %get3A_1 : vector<8192x128xf32> to vector<8192x128xbf16>
    %get3A_2 = arith.constant 0 : index
    %get3A_3 = arith.constant 0 : index
    %get3A_4 = vector.load %arg3[%get3A_2, %get3A_3] : memref<128x128xbf16, #tpu.memory_space<vmem>>, vector<128x128xbf16>
    %dot_general3A = arith.constant dense<0.000000e+00> : vector<8192x128xf32>
    %dot_general3A_5 = tpu.matmul %convert_element_type3A, %get3A_4, %dot_general3A {dimension_numbers = #tpu.dot_dimension_numbers<[1], [0], [0], [1], [0, 0, 1, 1], [], []>, transpose_lhs_hint = false} : vector<8192x128xbf16>, vector<128x128xbf16>, vector<8192x128xf32> -> vector<8192x128xf32>
    %convert_element_type3A_6 = arith.truncf %dot_general3A_5 : vector<8192x128xf32> to vector<8192x128xbf16>
    %get3A_7 = arith.constant 0 : index
    %get3A_8 = arith.constant 0 : index
    %get3A_9 = arith.constant 0 : index
    %get3A_10 = vector.load %arg2[%get3A_7, %get3A_8, %get3A_9] : memref<512x16x16xbf16, #tpu.memory_space<vmem>>, vector<512x16x16xbf16>
    %reshape3A = vector.shape_cast %get3A_10 : vector<512x16x16xbf16> to vector<8192x16xbf16>
    %broadcast_in_dim3A = arith.constant 1.000000e+00 : bf16
    %broadcast_in_dim3A_11 = vector.broadcast %broadcast_in_dim3A : bf16 to vector<16x128xbf16>
    %dot_general3A_12 = arith.constant dense<0.000000e+00> : vector<8192x128xf32>
    %dot_general3A_13 = tpu.matmul %reshape3A, %broadcast_in_dim3A_11, %dot_general3A_12 {dimension_numbers = #tpu.dot_dimension_numbers<[1], [0], [0], [1], [0, 0, 1, 1], [], []>, transpose_lhs_hint = false} : vector<8192x16xbf16>, vector<16x128xbf16>, vector<8192x128xf32> -> vector<8192x128xf32>
    %add3A = arith.constant 9.99999993E-9 : f32
    %add3A_14 = vector.broadcast %add3A : f32 to vector<8192x128xf32>
    %add3A_15 = arith.addf %dot_general3A_13, %add3A_14 : vector<8192x128xf32>
    %div3A = arith.constant 1.000000e+00 : f32
    %div3A_16 = vector.broadcast %div3A : f32 to vector<8192x128xf32>
    %div3A_17 = arith.divf %div3A_16, %add3A_15 : vector<8192x128xf32>
    %iota3A = tpu.iota {dimensions = array<i32: 1>} : vector<16x128xi32>
    %iota3A_18 = tpu.iota {dimensions = array<i32: 0>} : vector<16x128xi32>
    %jit3A = arith.constant 16 : i32
    %eq3A = arith.constant 0 : i32
    %eq3A_19 = arith.cmpi eq, %jit3A, %eq3A : i32
    %jit3A_20 = arith.constant 1 : i32
    %select_n3A = arith.select %eq3A_19, %jit3A_20, %jit3A : i32
    %rem3A = vector.broadcast %select_n3A : i32 to vector<16x128xi32>
    %rem3A_21 = arith.remsi %iota3A, %rem3A : vector<16x128xi32>
    %ne3A = arith.constant 0 : i32
    %ne3A_22 = vector.broadcast %ne3A : i32 to vector<16x128xi32>
    %ne3A_23 = arith.cmpi ne, %rem3A_21, %ne3A_22 : vector<16x128xi32>
    %lt3A = arith.constant 0 : i32
    %lt3A_24 = vector.broadcast %lt3A : i32 to vector<16x128xi32>
    %lt3A_25 = arith.cmpi slt, %rem3A_21, %lt3A_24 : vector<16x128xi32>
    %lt3A_26 = arith.constant 0 : i32
    %lt3A_27 = arith.cmpi slt, %select_n3A, %lt3A_26 : i32
    %ne3A_28 = vector.broadcast %lt3A_27 : i1 to vector<16x128xi1>
    %ne3A_29 = vector.broadcast %ne3A_28 : vector<16x128xi1> to vector<16x128xi1>
    %ne3A_30 = arith.xori %lt3A_25, %ne3A_29 : vector<16x128xi1>
    %and3A = arith.andi %ne3A_30, %ne3A_23 : vector<16x128xi1>
    %add3A_31 = vector.broadcast %select_n3A : i32 to vector<16x128xi32>
    %add3A_32 = arith.addi %rem3A_21, %add3A_31 : vector<16x128xi32>
    %select_n3A_33 = arith.select %and3A, %add3A_32, %rem3A_21 : vector<16x128xi1>, vector<16x128xi32>
    %eq3A_34 = arith.cmpi eq, %select_n3A_33, %iota3A_18 : vector<16x128xi32>
    %convert_element_type3A_35 = arith.extui %eq3A_34 : vector<16x128xi1> to vector<16x128xi32>
    %convert_element_type3A_36 = arith.sitofp %convert_element_type3A_35 : vector<16x128xi32> to vector<16x128xf32>
    %convert_element_type3A_37 = arith.truncf %convert_element_type3A_36 : vector<16x128xf32> to vector<16x128xbf16>
    %iota3A_38 = tpu.iota {dimensions = array<i32: 0>} : vector<128x128xi32>
    %iota3A_39 = tpu.iota {dimensions = array<i32: 1>} : vector<128x128xi32>
    %jit3A_40 = arith.constant 16 : i32
    %div3A_41 = vector.broadcast %jit3A_40 : i32 to vector<128x128xi32>
    %div3A_42 = arith.divsi %iota3A_38, %div3A_41 : vector<128x128xi32>
    %sign3A = arith.constant 0 : i32
    %sign3A_43 = vector.broadcast %sign3A : i32 to vector<128x128xi32>
    %sign3A_44 = arith.cmpi sgt, %iota3A_38, %sign3A_43 : vector<128x128xi32>
    %sign3A_45 = arith.extui %sign3A_44 : vector<128x128xi1> to vector<128x128xi32>
    %sign3A_46 = arith.constant 0 : i32
    %sign3A_47 = vector.broadcast %sign3A_46 : i32 to vector<128x128xi32>
    %sign3A_48 = arith.cmpi slt, %iota3A_38, %sign3A_47 : vector<128x128xi32>
    %sign3A_49 = arith.extui %sign3A_48 : vector<128x128xi1> to vector<128x128xi32>
    %sign3A_50 = arith.subi %sign3A_45, %sign3A_49 : vector<128x128xi32>
    %sign3A_51 = arith.constant 0 : i32
    %sign3A_52 = arith.cmpi sgt, %jit3A_40, %sign3A_51 : i32
    %sign3A_53 = arith.extui %sign3A_52 : i1 to i32
    %sign3A_54 = arith.constant 0 : i32
    %sign3A_55 = arith.cmpi slt, %jit3A_40, %sign3A_54 : i32
    %sign3A_56 = arith.extui %sign3A_55 : i1 to i32
    %sign3A_57 = arith.subi %sign3A_53, %sign3A_56 : i32
    %ne3A_58 = vector.broadcast %sign3A_57 : i32 to vector<128x128xi32>
    %ne3A_59 = arith.cmpi ne, %sign3A_50, %ne3A_58 : vector<128x128xi32>
    %rem3A_60 = vector.broadcast %jit3A_40 : i32 to vector<128x128xi32>
    %rem3A_61 = arith.remsi %iota3A_38, %rem3A_60 : vector<128x128xi32>
    %ne3A_62 = arith.constant 0 : i32
    %ne3A_63 = vector.broadcast %ne3A_62 : i32 to vector<128x128xi32>
    %ne3A_64 = arith.cmpi ne, %rem3A_61, %ne3A_63 : vector<128x128xi32>
    %and3A_65 = arith.andi %ne3A_59, %ne3A_64 : vector<128x128xi1>
    %sub3A = arith.constant 1 : i32
    %sub3A_66 = vector.broadcast %sub3A : i32 to vector<128x128xi32>
    %sub3A_67 = arith.subi %div3A_42, %sub3A_66 : vector<128x128xi32>
    %select_n3A_68 = arith.select %and3A_65, %sub3A_67, %div3A_42 : vector<128x128xi1>, vector<128x128xi32>
    %jit3A_69 = arith.constant 16 : i32
    %div3A_70 = vector.broadcast %jit3A_69 : i32 to vector<128x128xi32>
    %div3A_71 = arith.divsi %iota3A_39, %div3A_70 : vector<128x128xi32>
    %sign3A_72 = arith.constant 0 : i32
    %sign3A_73 = vector.broadcast %sign3A_72 : i32 to vector<128x128xi32>
    %sign3A_74 = arith.cmpi sgt, %iota3A_39, %sign3A_73 : vector<128x128xi32>
    %sign3A_75 = arith.extui %sign3A_74 : vector<128x128xi1> to vector<128x128xi32>
    %sign3A_76 = arith.constant 0 : i32
    %sign3A_77 = vector.broadcast %sign3A_76 : i32 to vector<128x128xi32>
    %sign3A_78 = arith.cmpi slt, %iota3A_39, %sign3A_77 : vector<128x128xi32>
    %sign3A_79 = arith.extui %sign3A_78 : vector<128x128xi1> to vector<128x128xi32>
    %sign3A_80 = arith.subi %sign3A_75, %sign3A_79 : vector<128x128xi32>
    %sign3A_81 = arith.constant 0 : i32
    %sign3A_82 = arith.cmpi sgt, %jit3A_69, %sign3A_81 : i32
    %sign3A_83 = arith.extui %sign3A_82 : i1 to i32
    %sign3A_84 = arith.constant 0 : i32
    %sign3A_85 = arith.cmpi slt, %jit3A_69, %sign3A_84 : i32
    %sign3A_86 = arith.extui %sign3A_85 : i1 to i32
    %sign3A_87 = arith.subi %sign3A_83, %sign3A_86 : i32
    %ne3A_88 = vector.broadcast %sign3A_87 : i32 to vector<128x128xi32>
    %ne3A_89 = arith.cmpi ne, %sign3A_80, %ne3A_88 : vector<128x128xi32>
    %rem3A_90 = vector.broadcast %jit3A_69 : i32 to vector<128x128xi32>
    %rem3A_91 = arith.remsi %iota3A_39, %rem3A_90 : vector<128x128xi32>
    %ne3A_92 = arith.constant 0 : i32
    %ne3A_93 = vector.broadcast %ne3A_92 : i32 to vector<128x128xi32>
    %ne3A_94 = arith.cmpi ne, %rem3A_91, %ne3A_93 : vector<128x128xi32>
    %and3A_95 = arith.andi %ne3A_89, %ne3A_94 : vector<128x128xi1>
    %sub3A_96 = arith.constant 1 : i32
    %sub3A_97 = vector.broadcast %sub3A_96 : i32 to vector<128x128xi32>
    %sub3A_98 = arith.subi %div3A_71, %sub3A_97 : vector<128x128xi32>
    %select_n3A_99 = arith.select %and3A_95, %sub3A_98, %div3A_71 : vector<128x128xi1>, vector<128x128xi32>
    %eq3A_100 = arith.cmpi eq, %select_n3A_68, %select_n3A_99 : vector<128x128xi32>
    %convert_element_type3A_101 = arith.extui %eq3A_100 : vector<128x128xi1> to vector<128x128xi32>
    %convert_element_type3A_102 = arith.sitofp %convert_element_type3A_101 : vector<128x128xi32> to vector<128x128xf32>
    %convert_element_type3A_103 = arith.truncf %convert_element_type3A_102 : vector<128x128xf32> to vector<128x128xbf16>
    %concatenate3A = tpu.concatenate %convert_element_type3A_103, %convert_element_type3A_103, %convert_element_type3A_103, %convert_element_type3A_103, %convert_element_type3A_103, %convert_element_type3A_103, %convert_element_type3A_103, %convert_element_type3A_103, %convert_element_type3A_103, %convert_element_type3A_103, %convert_element_type3A_103, %convert_element_type3A_103, %convert_element_type3A_103, %convert_element_type3A_103, %convert_element_type3A_103, %convert_element_type3A_103, %convert_element_type3A_103, %convert_element_type3A_103, %convert_element_type3A_103, %convert_element_type3A_103, %convert_element_type3A_103, %convert_element_type3A_103, %convert_element_type3A_103, %convert_element_type3A_103, %convert_element_type3A_103, %convert_element_type3A_103, %convert_element_type3A_103, %convert_element_type3A_103, %convert_element_type3A_103, %convert_element_type3A_103, %convert_element_type3A_103, %convert_element_type3A_103, %convert_element_type3A_103, %convert_element_type3A_103, %convert_element_type3A_103, %convert_element_type3A_103, %convert_element_type3A_103, %convert_element_type3A_103, %convert_element_type3A_103, %convert_element_type3A_103, %convert_element_type3A_103, %convert_element_type3A_103, %convert_element_type3A_103, %convert_element_type3A_103, %convert_element_type3A_103, %convert_element_type3A_103, %convert_element_type3A_103, %convert_element_type3A_103, %convert_element_type3A_103, %convert_element_type3A_103, %convert_element_type3A_103, %convert_element_type3A_103, %convert_element_type3A_103, %convert_element_type3A_103, %convert_element_type3A_103, %convert_element_type3A_103, %convert_element_type3A_103, %convert_element_type3A_103, %convert_element_type3A_103, %convert_element_type3A_103, %convert_element_type3A_103, %convert_element_type3A_103, %convert_element_type3A_103, %convert_element_type3A_103 in 0 : vector<128x128xbf16>, vector<128x128xbf16>, vector<128x128xbf16>, vector<128x128xbf16>, vector<128x128xbf16>, vector<128x128xbf16>, vector<128x128xbf16>, vector<128x128xbf16>, vector<128x128xbf16>, vector<128x128xbf16>, vector<128x128xbf16>, vector<128x128xbf16>, vector<128x128xbf16>, vector<128x128xbf16>, vector<128x128xbf16>, vector<128x128xbf16>, vector<128x128xbf16>, vector<128x128xbf16>, vector<128x128xbf16>, vector<128x128xbf16>, vector<128x128xbf16>, vector<128x128xbf16>, vector<128x128xbf16>, vector<128x128xbf16>, vector<128x128xbf16>, vector<128x128xbf16>, vector<128x128xbf16>, vector<128x128xbf16>, vector<128x128xbf16>, vector<128x128xbf16>, vector<128x128xbf16>, vector<128x128xbf16>, vector<128x128xbf16>, vector<128x128xbf16>, vector<128x128xbf16>, vector<128x128xbf16>, vector<128x128xbf16>, vector<128x128xbf16>, vector<128x128xbf16>, vector<128x128xbf16>, vector<128x128xbf16>, vector<128x128xbf16>, vector<128x128xbf16>, vector<128x128xbf16>, vector<128x128xbf16>, vector<128x128xbf16>, vector<128x128xbf16>, vector<128x128xbf16>, vector<128x128xbf16>, vector<128x128xbf16>, vector<128x128xbf16>, vector<128x128xbf16>, vector<128x128xbf16>, vector<128x128xbf16>, vector<128x128xbf16>, vector<128x128xbf16>, vector<128x128xbf16>, vector<128x128xbf16>, vector<128x128xbf16>, vector<128x128xbf16>, vector<128x128xbf16>, vector<128x128xbf16>, vector<128x128xbf16>, vector<128x128xbf16> -> vector<8192x128xbf16>
    %dot_general3A_104 = arith.constant dense<0.000000e+00> : vector<8192x128xf32>
    %dot_general3A_105 = tpu.matmul %reshape3A, %convert_element_type3A_37, %dot_general3A_104 {dimension_numbers = #tpu.dot_dimension_numbers<[1], [0], [0], [1], [0, 0, 1, 1], [], []>, transpose_lhs_hint = false} : vector<8192x16xbf16>, vector<16x128xbf16>, vector<8192x128xf32> -> vector<8192x128xf32>
    %convert_element_type3A_106 = arith.truncf %dot_general3A_105 : vector<8192x128xf32> to vector<8192x128xbf16>
    %mul3A = arith.mulf %convert_element_type3A_106, %concatenate3A : vector<8192x128xbf16>
    %slice3A = vector.extract_strided_slice %mul3A {offsets = [0, 0], sizes = [128, 128], strides = [1, 1]} : vector<8192x128xbf16> to vector<128x128xbf16>
    %slice3A_107 = vector.extract_strided_slice %convert_element_type3A_6 {offsets = [0, 0], sizes = [128, 128], strides = [1, 1]} : vector<8192x128xbf16> to vector<128x128xbf16>
    %dot_general3A_108 = arith.constant dense<0.000000e+00> : vector<128x128xf32>
    %dot_general3A_109 = tpu.matmul %slice3A, %slice3A_107, %dot_general3A_108 {dimension_numbers = #tpu.dot_dimension_numbers<[1], [0], [0], [1], [0, 0, 1, 1], [], []>, transpose_lhs_hint = false} : vector<128x128xbf16>, vector<128x128xbf16>, vector<128x128xf32> -> vector<128x128xf32>
    %slice3A_110 = vector.extract_strided_slice %mul3A {offsets = [128, 0], sizes = [128, 128], strides = [1, 1]} : vector<8192x128xbf16> to vector<128x128xbf16>
    %slice3A_111 = vector.extract_strided_slice %convert_element_type3A_6 {offsets = [128, 0], sizes = [128, 128], strides = [1, 1]} : vector<8192x128xbf16> to vector<128x128xbf16>
    %dot_general3A_112 = arith.constant dense<0.000000e+00> : vector<128x128xf32>
    %dot_general3A_113 = tpu.matmul %slice3A_110, %slice3A_111, %dot_general3A_112 {dimension_numbers = #tpu.dot_dimension_numbers<[1], [0], [0], [1], [0, 0, 1, 1], [], []>, transpose_lhs_hint = false} : vector<128x128xbf16>, vector<128x128xbf16>, vector<128x128xf32> -> vector<128x128xf32>
    %slice3A_114 = vector.extract_strided_slice %mul3A {offsets = [256, 0], sizes = [128, 128], strides = [1, 1]} : vector<8192x128xbf16> to vector<128x128xbf16>
    %slice3A_115 = vector.extract_strided_slice %convert_element_type3A_6 {offsets = [256, 0], sizes = [128, 128], strides = [1, 1]} : vector<8192x128xbf16> to vector<128x128xbf16>
    %dot_general3A_116 = arith.constant dense<0.000000e+00> : vector<128x128xf32>
    %dot_general3A_117 = tpu.matmul %slice3A_114, %slice3A_115, %dot_general3A_116 {dimension_numbers = #tpu.dot_dimension_numbers<[1], [0], [0], [1], [0, 0, 1, 1], [], []>, transpose_lhs_hint = false} : vector<128x128xbf16>, vector<128x128xbf16>, vector<128x128xf32> -> vector<128x128xf32>
    %slice3A_118 = vector.extract_strided_slice %mul3A {offsets = [384, 0], sizes = [128, 128], strides = [1, 1]} : vector<8192x128xbf16> to vector<128x128xbf16>
    %slice3A_119 = vector.extract_strided_slice %convert_element_type3A_6 {offsets = [384, 0], sizes = [128, 128], strides = [1, 1]} : vector<8192x128xbf16> to vector<128x128xbf16>
    %dot_general3A_120 = arith.constant dense<0.000000e+00> : vector<128x128xf32>
    %dot_general3A_121 = tpu.matmul %slice3A_118, %slice3A_119, %dot_general3A_120 {dimension_numbers = #tpu.dot_dimension_numbers<[1], [0], [0], [1], [0, 0, 1, 1], [], []>, transpose_lhs_hint = false} : vector<128x128xbf16>, vector<128x128xbf16>, vector<128x128xf32> -> vector<128x128xf32>
    %slice3A_122 = vector.extract_strided_slice %mul3A {offsets = [512, 0], sizes = [128, 128], strides = [1, 1]} : vector<8192x128xbf16> to vector<128x128xbf16>
    %slice3A_123 = vector.extract_strided_slice %convert_element_type3A_6 {offsets = [512, 0], sizes = [128, 128], strides = [1, 1]} : vector<8192x128xbf16> to vector<128x128xbf16>
    %dot_general3A_124 = arith.constant dense<0.000000e+00> : vector<128x128xf32>
    %dot_general3A_125 = tpu.matmul %slice3A_122, %slice3A_123, %dot_general3A_124 {dimension_numbers = #tpu.dot_dimension_numbers<[1], [0], [0], [1], [0, 0, 1, 1], [], []>, transpose_lhs_hint = false} : vector<128x128xbf16>, vector<128x128xbf16>, vector<128x128xf32> -> vector<128x128xf32>
    %slice3A_126 = vector.extract_strided_slice %mul3A {offsets = [640, 0], sizes = [128, 128], strides = [1, 1]} : vector<8192x128xbf16> to vector<128x128xbf16>
    %slice3A_127 = vector.extract_strided_slice %convert_element_type3A_6 {offsets = [640, 0], sizes = [128, 128], strides = [1, 1]} : vector<8192x128xbf16> to vector<128x128xbf16>
    %dot_general3A_128 = arith.constant dense<0.000000e+00> : vector<128x128xf32>
    %dot_general3A_129 = tpu.matmul %slice3A_126, %slice3A_127, %dot_general3A_128 {dimension_numbers = #tpu.dot_dimension_numbers<[1], [0], [0], [1], [0, 0, 1, 1], [], []>, transpose_lhs_hint = false} : vector<128x128xbf16>, vector<128x128xbf16>, vector<128x128xf32> -> vector<128x128xf32>
    %slice3A_130 = vector.extract_strided_slice %mul3A {offsets = [768, 0], sizes = [128, 128], strides = [1, 1]} : vector<8192x128xbf16> to vector<128x128xbf16>
    %slice3A_131 = vector.extract_strided_slice %convert_element_type3A_6 {offsets = [768, 0], sizes = [128, 128], strides = [1, 1]} : vector<8192x128xbf16> to vector<128x128xbf16>
    %dot_general3A_132 = arith.constant dense<0.000000e+00> : vector<128x128xf32>
    %dot_general3A_133 = tpu.matmul %slice3A_130, %slice3A_131, %dot_general3A_132 {dimension_numbers = #tpu.dot_dimension_numbers<[1], [0], [0], [1], [0, 0, 1, 1], [], []>, transpose_lhs_hint = false} : vector<128x128xbf16>, vector<128x128xbf16>, vector<128x128xf32> -> vector<128x128xf32>
    %slice3A_134 = vector.extract_strided_slice %mul3A {offsets = [896, 0], sizes = [128, 128], strides = [1, 1]} : vector<8192x128xbf16> to vector<128x128xbf16>
    %slice3A_135 = vector.extract_strided_slice %convert_element_type3A_6 {offsets = [896, 0], sizes = [128, 128], strides = [1, 1]} : vector<8192x128xbf16> to vector<128x128xbf16>
    %dot_general3A_136 = arith.constant dense<0.000000e+00> : vector<128x128xf32>
    %dot_general3A_137 = tpu.matmul %slice3A_134, %slice3A_135, %dot_general3A_136 {dimension_numbers = #tpu.dot_dimension_numbers<[1], [0], [0], [1], [0, 0, 1, 1], [], []>, transpose_lhs_hint = false} : vector<128x128xbf16>, vector<128x128xbf16>, vector<128x128xf32> -> vector<128x128xf32>
    %slice3A_138 = vector.extract_strided_slice %mul3A {offsets = [1024, 0], sizes = [128, 128], strides = [1, 1]} : vector<8192x128xbf16> to vector<128x128xbf16>
    %slice3A_139 = vector.extract_strided_slice %convert_element_type3A_6 {offsets = [1024, 0], sizes = [128, 128], strides = [1, 1]} : vector<8192x128xbf16> to vector<128x128xbf16>
    %dot_general3A_140 = arith.constant dense<0.000000e+00> : vector<128x128xf32>
    %dot_general3A_141 = tpu.matmul %slice3A_138, %slice3A_139, %dot_general3A_140 {dimension_numbers = #tpu.dot_dimension_numbers<[1], [0], [0], [1], [0, 0, 1, 1], [], []>, transpose_lhs_hint = false} : vector<128x128xbf16>, vector<128x128xbf16>, vector<128x128xf32> -> vector<128x128xf32>
    %slice3A_142 = vector.extract_strided_slice %mul3A {offsets = [1152, 0], sizes = [128, 128], strides = [1, 1]} : vector<8192x128xbf16> to vector<128x128xbf16>
    %slice3A_143 = vector.extract_strided_slice %convert_element_type3A_6 {offsets = [1152, 0], sizes = [128, 128], strides = [1, 1]} : vector<8192x128xbf16> to vector<128x128xbf16>
    %dot_general3A_144 = arith.constant dense<0.000000e+00> : vector<128x128xf32>
    %dot_general3A_145 = tpu.matmul %slice3A_142, %slice3A_143, %dot_general3A_144 {dimension_numbers = #tpu.dot_dimension_numbers<[1], [0], [0], [1], [0, 0, 1, 1], [], []>, transpose_lhs_hint = false} : vector<128x128xbf16>, vector<128x128xbf16>, vector<128x128xf32> -> vector<128x128xf32>
    %slice3A_146 = vector.extract_strided_slice %mul3A {offsets = [1280, 0], sizes = [128, 128], strides = [1, 1]} : vector<8192x128xbf16> to vector<128x128xbf16>
    %slice3A_147 = vector.extract_strided_slice %convert_element_type3A_6 {offsets = [1280, 0], sizes = [128, 128], strides = [1, 1]} : vector<8192x128xbf16> to vector<128x128xbf16>
    %dot_general3A_148 = arith.constant dense<0.000000e+00> : vector<128x128xf32>
    %dot_general3A_149 = tpu.matmul %slice3A_146, %slice3A_147, %dot_general3A_148 {dimension_numbers = #tpu.dot_dimension_numbers<[1], [0], [0], [1], [0, 0, 1, 1], [], []>, transpose_lhs_hint = false} : vector<128x128xbf16>, vector<128x128xbf16>, vector<128x128xf32> -> vector<128x128xf32>
    %slice3A_150 = vector.extract_strided_slice %mul3A {offsets = [1408, 0], sizes = [128, 128], strides = [1, 1]} : vector<8192x128xbf16> to vector<128x128xbf16>
    %slice3A_151 = vector.extract_strided_slice %convert_element_type3A_6 {offsets = [1408, 0], sizes = [128, 128], strides = [1, 1]} : vector<8192x128xbf16> to vector<128x128xbf16>
    %dot_general3A_152 = arith.constant dense<0.000000e+00> : vector<128x128xf32>
    %dot_general3A_153 = tpu.matmul %slice3A_150, %slice3A_151, %dot_general3A_152 {dimension_numbers = #tpu.dot_dimension_numbers<[1], [0], [0], [1], [0, 0, 1, 1], [], []>, transpose_lhs_hint = false} : vector<128x128xbf16>, vector<128x128xbf16>, vector<128x128xf32> -> vector<128x128xf32>
    %slice3A_154 = vector.extract_strided_slice %mul3A {offsets = [1536, 0], sizes = [128, 128], strides = [1, 1]} : vector<8192x128xbf16> to vector<128x128xbf16>
    %slice3A_155 = vector.extract_strided_slice %convert_element_type3A_6 {offsets = [1536, 0], sizes = [128, 128], strides = [1, 1]} : vector<8192x128xbf16> to vector<128x128xbf16>
    %dot_general3A_156 = arith.constant dense<0.000000e+00> : vector<128x128xf32>
    %dot_general3A_157 = tpu.matmul %slice3A_154, %slice3A_155, %dot_general3A_156 {dimension_numbers = #tpu.dot_dimension_numbers<[1], [0], [0], [1], [0, 0, 1, 1], [], []>, transpose_lhs_hint = false} : vector<128x128xbf16>, vector<128x128xbf16>, vector<128x128xf32> -> vector<128x128xf32>
    %slice3A_158 = vector.extract_strided_slice %mul3A {offsets = [1664, 0], sizes = [128, 128], strides = [1, 1]} : vector<8192x128xbf16> to vector<128x128xbf16>
    %slice3A_159 = vector.extract_strided_slice %convert_element_type3A_6 {offsets = [1664, 0], sizes = [128, 128], strides = [1, 1]} : vector<8192x128xbf16> to vector<128x128xbf16>
    %dot_general3A_160 = arith.constant dense<0.000000e+00> : vector<128x128xf32>
    %dot_general3A_161 = tpu.matmul %slice3A_158, %slice3A_159, %dot_general3A_160 {dimension_numbers = #tpu.dot_dimension_numbers<[1], [0], [0], [1], [0, 0, 1, 1], [], []>, transpose_lhs_hint = false} : vector<128x128xbf16>, vector<128x128xbf16>, vector<128x128xf32> -> vector<128x128xf32>
    %slice3A_162 = vector.extract_strided_slice %mul3A {offsets = [1792, 0], sizes = [128, 128], strides = [1, 1]} : vector<8192x128xbf16> to vector<128x128xbf16>
    %slice3A_163 = vector.extract_strided_slice %convert_element_type3A_6 {offsets = [1792, 0], sizes = [128, 128], strides = [1, 1]} : vector<8192x128xbf16> to vector<128x128xbf16>
    %dot_general3A_164 = arith.constant dense<0.000000e+00> : vector<128x128xf32>
    %dot_general3A_165 = tpu.matmul %slice3A_162, %slice3A_163, %dot_general3A_164 {dimension_numbers = #tpu.dot_dimension_numbers<[1], [0], [0], [1], [0, 0, 1, 1], [], []>, transpose_lhs_hint = false} : vector<128x128xbf16>, vector<128x128xbf16>, vector<128x128xf32> -> vector<128x128xf32>
    %slice3A_166 = vector.extract_strided_slice %mul3A {offsets = [1920, 0], sizes = [128, 128], strides = [1, 1]} : vector<8192x128xbf16> to vector<128x128xbf16>
    %slice3A_167 = vector.extract_strided_slice %convert_element_type3A_6 {offsets = [1920, 0], sizes = [128, 128], strides = [1, 1]} : vector<8192x128xbf16> to vector<128x128xbf16>
    %dot_general3A_168 = arith.constant dense<0.000000e+00> : vector<128x128xf32>
    %dot_general3A_169 = tpu.matmul %slice3A_166, %slice3A_167, %dot_general3A_168 {dimension_numbers = #tpu.dot_dimension_numbers<[1], [0], [0], [1], [0, 0, 1, 1], [], []>, transpose_lhs_hint = false} : vector<128x128xbf16>, vector<128x128xbf16>, vector<128x128xf32> -> vector<128x128xf32>
    %slice3A_170 = vector.extract_strided_slice %mul3A {offsets = [2048, 0], sizes = [128, 128], strides = [1, 1]} : vector<8192x128xbf16> to vector<128x128xbf16>
    %slice3A_171 = vector.extract_strided_slice %convert_element_type3A_6 {offsets = [2048, 0], sizes = [128, 128], strides = [1, 1]} : vector<8192x128xbf16> to vector<128x128xbf16>
    %dot_general3A_172 = arith.constant dense<0.000000e+00> : vector<128x128xf32>
    %dot_general3A_173 = tpu.matmul %slice3A_170, %slice3A_171, %dot_general3A_172 {dimension_numbers = #tpu.dot_dimension_numbers<[1], [0], [0], [1], [0, 0, 1, 1], [], []>, transpose_lhs_hint = false} : vector<128x128xbf16>, vector<128x128xbf16>, vector<128x128xf32> -> vector<128x128xf32>
    %slice3A_174 = vector.extract_strided_slice %mul3A {offsets = [2176, 0], sizes = [128, 128], strides = [1, 1]} : vector<8192x128xbf16> to vector<128x128xbf16>
    %slice3A_175 = vector.extract_strided_slice %convert_element_type3A_6 {offsets = [2176, 0], sizes = [128, 128], strides = [1, 1]} : vector<8192x128xbf16> to vector<128x128xbf16>
    %dot_general3A_176 = arith.constant dense<0.000000e+00> : vector<128x128xf32>
    %dot_general3A_177 = tpu.matmul %slice3A_174, %slice3A_175, %dot_general3A_176 {dimension_numbers = #tpu.dot_dimension_numbers<[1], [0], [0], [1], [0, 0, 1, 1], [], []>, transpose_lhs_hint = false} : vector<128x128xbf16>, vector<128x128xbf16>, vector<128x128xf32> -> vector<128x128xf32>
    %slice3A_178 = vector.extract_strided_slice %mul3A {offsets = [2304, 0], sizes = [128, 128], strides = [1, 1]} : vector<8192x128xbf16> to vector<128x128xbf16>
    %slice3A_179 = vector.extract_strided_slice %convert_element_type3A_6 {offsets = [2304, 0], sizes = [128, 128], strides = [1, 1]} : vector<8192x128xbf16> to vector<128x128xbf16>
    %dot_general3A_180 = arith.constant dense<0.000000e+00> : vector<128x128xf32>
    %dot_general3A_181 = tpu.matmul %slice3A_178, %slice3A_179, %dot_general3A_180 {dimension_numbers = #tpu.dot_dimension_numbers<[1], [0], [0], [1], [0, 0, 1, 1], [], []>, transpose_lhs_hint = false} : vector<128x128xbf16>, vector<128x128xbf16>, vector<128x128xf32> -> vector<128x128xf32>
    %slice3A_182 = vector.extract_strided_slice %mul3A {offsets = [2432, 0], sizes = [128, 128], strides = [1, 1]} : vector<8192x128xbf16> to vector<128x128xbf16>
    %slice3A_183 = vector.extract_strided_slice %convert_element_type3A_6 {offsets = [2432, 0], sizes = [128, 128], strides = [1, 1]} : vector<8192x128xbf16> to vector<128x128xbf16>
    %dot_general3A_184 = arith.constant dense<0.000000e+00> : vector<128x128xf32>
    %dot_general3A_185 = tpu.matmul %slice3A_182, %slice3A_183, %dot_general3A_184 {dimension_numbers = #tpu.dot_dimension_numbers<[1], [0], [0], [1], [0, 0, 1, 1], [], []>, transpose_lhs_hint = false} : vector<128x128xbf16>, vector<128x128xbf16>, vector<128x128xf32> -> vector<128x128xf32>
    %slice3A_186 = vector.extract_strided_slice %mul3A {offsets = [2560, 0], sizes = [128, 128], strides = [1, 1]} : vector<8192x128xbf16> to vector<128x128xbf16>
    %slice3A_187 = vector.extract_strided_slice %convert_element_type3A_6 {offsets = [2560, 0], sizes = [128, 128], strides = [1, 1]} : vector<8192x128xbf16> to vector<128x128xbf16>
    %dot_general3A_188 = arith.constant dense<0.000000e+00> : vector<128x128xf32>
    %dot_general3A_189 = tpu.matmul %slice3A_186, %slice3A_187, %dot_general3A_188 {dimension_numbers = #tpu.dot_dimension_numbers<[1], [0], [0], [1], [0, 0, 1, 1], [], []>, transpose_lhs_hint = false} : vector<128x128xbf16>, vector<128x128xbf16>, vector<128x128xf32> -> vector<128x128xf32>
    %slice3A_190 = vector.extract_strided_slice %mul3A {offsets = [2688, 0], sizes = [128, 128], strides = [1, 1]} : vector<8192x128xbf16> to vector<128x128xbf16>
    %slice3A_191 = vector.extract_strided_slice %convert_element_type3A_6 {offsets = [2688, 0], sizes = [128, 128], strides = [1, 1]} : vector<8192x128xbf16> to vector<128x128xbf16>
    %dot_general3A_192 = arith.constant dense<0.000000e+00> : vector<128x128xf32>
    %dot_general3A_193 = tpu.matmul %slice3A_190, %slice3A_191, %dot_general3A_192 {dimension_numbers = #tpu.dot_dimension_numbers<[1], [0], [0], [1], [0, 0, 1, 1], [], []>, transpose_lhs_hint = false} : vector<128x128xbf16>, vector<128x128xbf16>, vector<128x128xf32> -> vector<128x128xf32>
    %slice3A_194 = vector.extract_strided_slice %mul3A {offsets = [2816, 0], sizes = [128, 128], strides = [1, 1]} : vector<8192x128xbf16> to vector<128x128xbf16>
    %slice3A_195 = vector.extract_strided_slice %convert_element_type3A_6 {offsets = [2816, 0], sizes = [128, 128], strides = [1, 1]} : vector<8192x128xbf16> to vector<128x128xbf16>
    %dot_general3A_196 = arith.constant dense<0.000000e+00> : vector<128x128xf32>
    %dot_general3A_197 = tpu.matmul %slice3A_194, %slice3A_195, %dot_general3A_196 {dimension_numbers = #tpu.dot_dimension_numbers<[1], [0], [0], [1], [0, 0, 1, 1], [], []>, transpose_lhs_hint = false} : vector<128x128xbf16>, vector<128x128xbf16>, vector<128x128xf32> -> vector<128x128xf32>
    %slice3A_198 = vector.extract_strided_slice %mul3A {offsets = [2944, 0], sizes = [128, 128], strides = [1, 1]} : vector<8192x128xbf16> to vector<128x128xbf16>
    %slice3A_199 = vector.extract_strided_slice %convert_element_type3A_6 {offsets = [2944, 0], sizes = [128, 128], strides = [1, 1]} : vector<8192x128xbf16> to vector<128x128xbf16>
    %dot_general3A_200 = arith.constant dense<0.000000e+00> : vector<128x128xf32>
    %dot_general3A_201 = tpu.matmul %slice3A_198, %slice3A_199, %dot_general3A_200 {dimension_numbers = #tpu.dot_dimension_numbers<[1], [0], [0], [1], [0, 0, 1, 1], [], []>, transpose_lhs_hint = false} : vector<128x128xbf16>, vector<128x128xbf16>, vector<128x128xf32> -> vector<128x128xf32>
    %slice3A_202 = vector.extract_strided_slice %mul3A {offsets = [3072, 0], sizes = [128, 128], strides = [1, 1]} : vector<8192x128xbf16> to vector<128x128xbf16>
    %slice3A_203 = vector.extract_strided_slice %convert_element_type3A_6 {offsets = [3072, 0], sizes = [128, 128], strides = [1, 1]} : vector<8192x128xbf16> to vector<128x128xbf16>
    %dot_general3A_204 = arith.constant dense<0.000000e+00> : vector<128x128xf32>
    %dot_general3A_205 = tpu.matmul %slice3A_202, %slice3A_203, %dot_general3A_204 {dimension_numbers = #tpu.dot_dimension_numbers<[1], [0], [0], [1], [0, 0, 1, 1], [], []>, transpose_lhs_hint = false} : vector<128x128xbf16>, vector<128x128xbf16>, vector<128x128xf32> -> vector<128x128xf32>
    %slice3A_206 = vector.extract_strided_slice %mul3A {offsets = [3200, 0], sizes = [128, 128], strides = [1, 1]} : vector<8192x128xbf16> to vector<128x128xbf16>
    %slice3A_207 = vector.extract_strided_slice %convert_element_type3A_6 {offsets = [3200, 0], sizes = [128, 128], strides = [1, 1]} : vector<8192x128xbf16> to vector<128x128xbf16>
    %dot_general3A_208 = arith.constant dense<0.000000e+00> : vector<128x128xf32>
    %dot_general3A_209 = tpu.matmul %slice3A_206, %slice3A_207, %dot_general3A_208 {dimension_numbers = #tpu.dot_dimension_numbers<[1], [0], [0], [1], [0, 0, 1, 1], [], []>, transpose_lhs_hint = false} : vector<128x128xbf16>, vector<128x128xbf16>, vector<128x128xf32> -> vector<128x128xf32>
    %slice3A_210 = vector.extract_strided_slice %mul3A {offsets = [3328, 0], sizes = [128, 128], strides = [1, 1]} : vector<8192x128xbf16> to vector<128x128xbf16>
    %slice3A_211 = vector.extract_strided_slice %convert_element_type3A_6 {offsets = [3328, 0], sizes = [128, 128], strides = [1, 1]} : vector<8192x128xbf16> to vector<128x128xbf16>
    %dot_general3A_212 = arith.constant dense<0.000000e+00> : vector<128x128xf32>
    %dot_general3A_213 = tpu.matmul %slice3A_210, %slice3A_211, %dot_general3A_212 {dimension_numbers = #tpu.dot_dimension_numbers<[1], [0], [0], [1], [0, 0, 1, 1], [], []>, transpose_lhs_hint = false} : vector<128x128xbf16>, vector<128x128xbf16>, vector<128x128xf32> -> vector<128x128xf32>
    %slice3A_214 = vector.extract_strided_slice %mul3A {offsets = [3456, 0], sizes = [128, 128], strides = [1, 1]} : vector<8192x128xbf16> to vector<128x128xbf16>
    %slice3A_215 = vector.extract_strided_slice %convert_element_type3A_6 {offsets = [3456, 0], sizes = [128, 128], strides = [1, 1]} : vector<8192x128xbf16> to vector<128x128xbf16>
    %dot_general3A_216 = arith.constant dense<0.000000e+00> : vector<128x128xf32>
    %dot_general3A_217 = tpu.matmul %slice3A_214, %slice3A_215, %dot_general3A_216 {dimension_numbers = #tpu.dot_dimension_numbers<[1], [0], [0], [1], [0, 0, 1, 1], [], []>, transpose_lhs_hint = false} : vector<128x128xbf16>, vector<128x128xbf16>, vector<128x128xf32> -> vector<128x128xf32>
    %slice3A_218 = vector.extract_strided_slice %mul3A {offsets = [3584, 0], sizes = [128, 128], strides = [1, 1]} : vector<8192x128xbf16> to vector<128x128xbf16>
    %slice3A_219 = vector.extract_strided_slice %convert_element_type3A_6 {offsets = [3584, 0], sizes = [128, 128], strides = [1, 1]} : vector<8192x128xbf16> to vector<128x128xbf16>
    %dot_general3A_220 = arith.constant dense<0.000000e+00> : vector<128x128xf32>
    %dot_general3A_221 = tpu.matmul %slice3A_218, %slice3A_219, %dot_general3A_220 {dimension_numbers = #tpu.dot_dimension_numbers<[1], [0], [0], [1], [0, 0, 1, 1], [], []>, transpose_lhs_hint = false} : vector<128x128xbf16>, vector<128x128xbf16>, vector<128x128xf32> -> vector<128x128xf32>
    %slice3A_222 = vector.extract_strided_slice %mul3A {offsets = [3712, 0], sizes = [128, 128], strides = [1, 1]} : vector<8192x128xbf16> to vector<128x128xbf16>
    %slice3A_223 = vector.extract_strided_slice %convert_element_type3A_6 {offsets = [3712, 0], sizes = [128, 128], strides = [1, 1]} : vector<8192x128xbf16> to vector<128x128xbf16>
    %dot_general3A_224 = arith.constant dense<0.000000e+00> : vector<128x128xf32>
    %dot_general3A_225 = tpu.matmul %slice3A_222, %slice3A_223, %dot_general3A_224 {dimension_numbers = #tpu.dot_dimension_numbers<[1], [0], [0], [1], [0, 0, 1, 1], [], []>, transpose_lhs_hint = false} : vector<128x128xbf16>, vector<128x128xbf16>, vector<128x128xf32> -> vector<128x128xf32>
    %slice3A_226 = vector.extract_strided_slice %mul3A {offsets = [3840, 0], sizes = [128, 128], strides = [1, 1]} : vector<8192x128xbf16> to vector<128x128xbf16>
    %slice3A_227 = vector.extract_strided_slice %convert_element_type3A_6 {offsets = [3840, 0], sizes = [128, 128], strides = [1, 1]} : vector<8192x128xbf16> to vector<128x128xbf16>
    %dot_general3A_228 = arith.constant dense<0.000000e+00> : vector<128x128xf32>
    %dot_general3A_229 = tpu.matmul %slice3A_226, %slice3A_227, %dot_general3A_228 {dimension_numbers = #tpu.dot_dimension_numbers<[1], [0], [0], [1], [0, 0, 1, 1], [], []>, transpose_lhs_hint = false} : vector<128x128xbf16>, vector<128x128xbf16>, vector<128x128xf32> -> vector<128x128xf32>
    %slice3A_230 = vector.extract_strided_slice %mul3A {offsets = [3968, 0], sizes = [128, 128], strides = [1, 1]} : vector<8192x128xbf16> to vector<128x128xbf16>
    %slice3A_231 = vector.extract_strided_slice %convert_element_type3A_6 {offsets = [3968, 0], sizes = [128, 128], strides = [1, 1]} : vector<8192x128xbf16> to vector<128x128xbf16>
    %dot_general3A_232 = arith.constant dense<0.000000e+00> : vector<128x128xf32>
    %dot_general3A_233 = tpu.matmul %slice3A_230, %slice3A_231, %dot_general3A_232 {dimension_numbers = #tpu.dot_dimension_numbers<[1], [0], [0], [1], [0, 0, 1, 1], [], []>, transpose_lhs_hint = false} : vector<128x128xbf16>, vector<128x128xbf16>, vector<128x128xf32> -> vector<128x128xf32>
    %slice3A_234 = vector.extract_strided_slice %mul3A {offsets = [4096, 0], sizes = [128, 128], strides = [1, 1]} : vector<8192x128xbf16> to vector<128x128xbf16>
    %slice3A_235 = vector.extract_strided_slice %convert_element_type3A_6 {offsets = [4096, 0], sizes = [128, 128], strides = [1, 1]} : vector<8192x128xbf16> to vector<128x128xbf16>
    %dot_general3A_236 = arith.constant dense<0.000000e+00> : vector<128x128xf32>
    %dot_general3A_237 = tpu.matmul %slice3A_234, %slice3A_235, %dot_general3A_236 {dimension_numbers = #tpu.dot_dimension_numbers<[1], [0], [0], [1], [0, 0, 1, 1], [], []>, transpose_lhs_hint = false} : vector<128x128xbf16>, vector<128x128xbf16>, vector<128x128xf32> -> vector<128x128xf32>
    %slice3A_238 = vector.extract_strided_slice %mul3A {offsets = [4224, 0], sizes = [128, 128], strides = [1, 1]} : vector<8192x128xbf16> to vector<128x128xbf16>
    %slice3A_239 = vector.extract_strided_slice %convert_element_type3A_6 {offsets = [4224, 0], sizes = [128, 128], strides = [1, 1]} : vector<8192x128xbf16> to vector<128x128xbf16>
    %dot_general3A_240 = arith.constant dense<0.000000e+00> : vector<128x128xf32>
    %dot_general3A_241 = tpu.matmul %slice3A_238, %slice3A_239, %dot_general3A_240 {dimension_numbers = #tpu.dot_dimension_numbers<[1], [0], [0], [1], [0, 0, 1, 1], [], []>, transpose_lhs_hint = false} : vector<128x128xbf16>, vector<128x128xbf16>, vector<128x128xf32> -> vector<128x128xf32>
    %slice3A_242 = vector.extract_strided_slice %mul3A {offsets = [4352, 0], sizes = [128, 128], strides = [1, 1]} : vector<8192x128xbf16> to vector<128x128xbf16>
    %slice3A_243 = vector.extract_strided_slice %convert_element_type3A_6 {offsets = [4352, 0], sizes = [128, 128], strides = [1, 1]} : vector<8192x128xbf16> to vector<128x128xbf16>
    %dot_general3A_244 = arith.constant dense<0.000000e+00> : vector<128x128xf32>
    %dot_general3A_245 = tpu.matmul %slice3A_242, %slice3A_243, %dot_general3A_244 {dimension_numbers = #tpu.dot_dimension_numbers<[1], [0], [0], [1], [0, 0, 1, 1], [], []>, transpose_lhs_hint = false} : vector<128x128xbf16>, vector<128x128xbf16>, vector<128x128xf32> -> vector<128x128xf32>
    %slice3A_246 = vector.extract_strided_slice %mul3A {offsets = [4480, 0], sizes = [128, 128], strides = [1, 1]} : vector<8192x128xbf16> to vector<128x128xbf16>
    %slice3A_247 = vector.extract_strided_slice %convert_element_type3A_6 {offsets = [4480, 0], sizes = [128, 128], strides = [1, 1]} : vector<8192x128xbf16> to vector<128x128xbf16>
    %dot_general3A_248 = arith.constant dense<0.000000e+00> : vector<128x128xf32>
    %dot_general3A_249 = tpu.matmul %slice3A_246, %slice3A_247, %dot_general3A_248 {dimension_numbers = #tpu.dot_dimension_numbers<[1], [0], [0], [1], [0, 0, 1, 1], [], []>, transpose_lhs_hint = false} : vector<128x128xbf16>, vector<128x128xbf16>, vector<128x128xf32> -> vector<128x128xf32>
    %slice3A_250 = vector.extract_strided_slice %mul3A {offsets = [4608, 0], sizes = [128, 128], strides = [1, 1]} : vector<8192x128xbf16> to vector<128x128xbf16>
    %slice3A_251 = vector.extract_strided_slice %convert_element_type3A_6 {offsets = [4608, 0], sizes = [128, 128], strides = [1, 1]} : vector<8192x128xbf16> to vector<128x128xbf16>
    %dot_general3A_252 = arith.constant dense<0.000000e+00> : vector<128x128xf32>
    %dot_general3A_253 = tpu.matmul %slice3A_250, %slice3A_251, %dot_general3A_252 {dimension_numbers = #tpu.dot_dimension_numbers<[1], [0], [0], [1], [0, 0, 1, 1], [], []>, transpose_lhs_hint = false} : vector<128x128xbf16>, vector<128x128xbf16>, vector<128x128xf32> -> vector<128x128xf32>
    %slice3A_254 = vector.extract_strided_slice %mul3A {offsets = [4736, 0], sizes = [128, 128], strides = [1, 1]} : vector<8192x128xbf16> to vector<128x128xbf16>
    %slice3A_255 = vector.extract_strided_slice %convert_element_type3A_6 {offsets = [4736, 0], sizes = [128, 128], strides = [1, 1]} : vector<8192x128xbf16> to vector<128x128xbf16>
    %dot_general3A_256 = arith.constant dense<0.000000e+00> : vector<128x128xf32>
    %dot_general3A_257 = tpu.matmul %slice3A_254, %slice3A_255, %dot_general3A_256 {dimension_numbers = #tpu.dot_dimension_numbers<[1], [0], [0], [1], [0, 0, 1, 1], [], []>, transpose_lhs_hint = false} : vector<128x128xbf16>, vector<128x128xbf16>, vector<128x128xf32> -> vector<128x128xf32>
    %slice3A_258 = vector.extract_strided_slice %mul3A {offsets = [4864, 0], sizes = [128, 128], strides = [1, 1]} : vector<8192x128xbf16> to vector<128x128xbf16>
    %slice3A_259 = vector.extract_strided_slice %convert_element_type3A_6 {offsets = [4864, 0], sizes = [128, 128], strides = [1, 1]} : vector<8192x128xbf16> to vector<128x128xbf16>
    %dot_general3A_260 = arith.constant dense<0.000000e+00> : vector<128x128xf32>
    %dot_general3A_261 = tpu.matmul %slice3A_258, %slice3A_259, %dot_general3A_260 {dimension_numbers = #tpu.dot_dimension_numbers<[1], [0], [0], [1], [0, 0, 1, 1], [], []>, transpose_lhs_hint = false} : vector<128x128xbf16>, vector<128x128xbf16>, vector<128x128xf32> -> vector<128x128xf32>
    %slice3A_262 = vector.extract_strided_slice %mul3A {offsets = [4992, 0], sizes = [128, 128], strides = [1, 1]} : vector<8192x128xbf16> to vector<128x128xbf16>
    %slice3A_263 = vector.extract_strided_slice %convert_element_type3A_6 {offsets = [4992, 0], sizes = [128, 128], strides = [1, 1]} : vector<8192x128xbf16> to vector<128x128xbf16>
    %dot_general3A_264 = arith.constant dense<0.000000e+00> : vector<128x128xf32>
    %dot_general3A_265 = tpu.matmul %slice3A_262, %slice3A_263, %dot_general3A_264 {dimension_numbers = #tpu.dot_dimension_numbers<[1], [0], [0], [1], [0, 0, 1, 1], [], []>, transpose_lhs_hint = false} : vector<128x128xbf16>, vector<128x128xbf16>, vector<128x128xf32> -> vector<128x128xf32>
    %slice3A_266 = vector.extract_strided_slice %mul3A {offsets = [5120, 0], sizes = [128, 128], strides = [1, 1]} : vector<8192x128xbf16> to vector<128x128xbf16>
    %slice3A_267 = vector.extract_strided_slice %convert_element_type3A_6 {offsets = [5120, 0], sizes = [128, 128], strides = [1, 1]} : vector<8192x128xbf16> to vector<128x128xbf16>
    %dot_general3A_268 = arith.constant dense<0.000000e+00> : vector<128x128xf32>
    %dot_general3A_269 = tpu.matmul %slice3A_266, %slice3A_267, %dot_general3A_268 {dimension_numbers = #tpu.dot_dimension_numbers<[1], [0], [0], [1], [0, 0, 1, 1], [], []>, transpose_lhs_hint = false} : vector<128x128xbf16>, vector<128x128xbf16>, vector<128x128xf32> -> vector<128x128xf32>
    %slice3A_270 = vector.extract_strided_slice %mul3A {offsets = [5248, 0], sizes = [128, 128], strides = [1, 1]} : vector<8192x128xbf16> to vector<128x128xbf16>
    %slice3A_271 = vector.extract_strided_slice %convert_element_type3A_6 {offsets = [5248, 0], sizes = [128, 128], strides = [1, 1]} : vector<8192x128xbf16> to vector<128x128xbf16>
    %dot_general3A_272 = arith.constant dense<0.000000e+00> : vector<128x128xf32>
    %dot_general3A_273 = tpu.matmul %slice3A_270, %slice3A_271, %dot_general3A_272 {dimension_numbers = #tpu.dot_dimension_numbers<[1], [0], [0], [1], [0, 0, 1, 1], [], []>, transpose_lhs_hint = false} : vector<128x128xbf16>, vector<128x128xbf16>, vector<128x128xf32> -> vector<128x128xf32>
    %slice3A_274 = vector.extract_strided_slice %mul3A {offsets = [5376, 0], sizes = [128, 128], strides = [1, 1]} : vector<8192x128xbf16> to vector<128x128xbf16>
    %slice3A_275 = vector.extract_strided_slice %convert_element_type3A_6 {offsets = [5376, 0], sizes = [128, 128], strides = [1, 1]} : vector<8192x128xbf16> to vector<128x128xbf16>
    %dot_general3A_276 = arith.constant dense<0.000000e+00> : vector<128x128xf32>
    %dot_general3A_277 = tpu.matmul %slice3A_274, %slice3A_275, %dot_general3A_276 {dimension_numbers = #tpu.dot_dimension_numbers<[1], [0], [0], [1], [0, 0, 1, 1], [], []>, transpose_lhs_hint = false} : vector<128x128xbf16>, vector<128x128xbf16>, vector<128x128xf32> -> vector<128x128xf32>
    %slice3A_278 = vector.extract_strided_slice %mul3A {offsets = [5504, 0], sizes = [128, 128], strides = [1, 1]} : vector<8192x128xbf16> to vector<128x128xbf16>
    %slice3A_279 = vector.extract_strided_slice %convert_element_type3A_6 {offsets = [5504, 0], sizes = [128, 128], strides = [1, 1]} : vector<8192x128xbf16> to vector<128x128xbf16>
    %dot_general3A_280 = arith.constant dense<0.000000e+00> : vector<128x128xf32>
    %dot_general3A_281 = tpu.matmul %slice3A_278, %slice3A_279, %dot_general3A_280 {dimension_numbers = #tpu.dot_dimension_numbers<[1], [0], [0], [1], [0, 0, 1, 1], [], []>, transpose_lhs_hint = false} : vector<128x128xbf16>, vector<128x128xbf16>, vector<128x128xf32> -> vector<128x128xf32>
    %slice3A_282 = vector.extract_strided_slice %mul3A {offsets = [5632, 0], sizes = [128, 128], strides = [1, 1]} : vector<8192x128xbf16> to vector<128x128xbf16>
    %slice3A_283 = vector.extract_strided_slice %convert_element_type3A_6 {offsets = [5632, 0], sizes = [128, 128], strides = [1, 1]} : vector<8192x128xbf16> to vector<128x128xbf16>
    %dot_general3A_284 = arith.constant dense<0.000000e+00> : vector<128x128xf32>
    %dot_general3A_285 = tpu.matmul %slice3A_282, %slice3A_283, %dot_general3A_284 {dimension_numbers = #tpu.dot_dimension_numbers<[1], [0], [0], [1], [0, 0, 1, 1], [], []>, transpose_lhs_hint = false} : vector<128x128xbf16>, vector<128x128xbf16>, vector<128x128xf32> -> vector<128x128xf32>
    %slice3A_286 = vector.extract_strided_slice %mul3A {offsets = [5760, 0], sizes = [128, 128], strides = [1, 1]} : vector<8192x128xbf16> to vector<128x128xbf16>
    %slice3A_287 = vector.extract_strided_slice %convert_element_type3A_6 {offsets = [5760, 0], sizes = [128, 128], strides = [1, 1]} : vector<8192x128xbf16> to vector<128x128xbf16>
    %dot_general3A_288 = arith.constant dense<0.000000e+00> : vector<128x128xf32>
    %dot_general3A_289 = tpu.matmul %slice3A_286, %slice3A_287, %dot_general3A_288 {dimension_numbers = #tpu.dot_dimension_numbers<[1], [0], [0], [1], [0, 0, 1, 1], [], []>, transpose_lhs_hint = false} : vector<128x128xbf16>, vector<128x128xbf16>, vector<128x128xf32> -> vector<128x128xf32>
    %slice3A_290 = vector.extract_strided_slice %mul3A {offsets = [5888, 0], sizes = [128, 128], strides = [1, 1]} : vector<8192x128xbf16> to vector<128x128xbf16>
    %slice3A_291 = vector.extract_strided_slice %convert_element_type3A_6 {offsets = [5888, 0], sizes = [128, 128], strides = [1, 1]} : vector<8192x128xbf16> to vector<128x128xbf16>
    %dot_general3A_292 = arith.constant dense<0.000000e+00> : vector<128x128xf32>
    %dot_general3A_293 = tpu.matmul %slice3A_290, %slice3A_291, %dot_general3A_292 {dimension_numbers = #tpu.dot_dimension_numbers<[1], [0], [0], [1], [0, 0, 1, 1], [], []>, transpose_lhs_hint = false} : vector<128x128xbf16>, vector<128x128xbf16>, vector<128x128xf32> -> vector<128x128xf32>
    %slice3A_294 = vector.extract_strided_slice %mul3A {offsets = [6016, 0], sizes = [128, 128], strides = [1, 1]} : vector<8192x128xbf16> to vector<128x128xbf16>
    %slice3A_295 = vector.extract_strided_slice %convert_element_type3A_6 {offsets = [6016, 0], sizes = [128, 128], strides = [1, 1]} : vector<8192x128xbf16> to vector<128x128xbf16>
    %dot_general3A_296 = arith.constant dense<0.000000e+00> : vector<128x128xf32>
    %dot_general3A_297 = tpu.matmul %slice3A_294, %slice3A_295, %dot_general3A_296 {dimension_numbers = #tpu.dot_dimension_numbers<[1], [0], [0], [1], [0, 0, 1, 1], [], []>, transpose_lhs_hint = false} : vector<128x128xbf16>, vector<128x128xbf16>, vector<128x128xf32> -> vector<128x128xf32>
    %slice3A_298 = vector.extract_strided_slice %mul3A {offsets = [6144, 0], sizes = [128, 128], strides = [1, 1]} : vector<8192x128xbf16> to vector<128x128xbf16>
    %slice3A_299 = vector.extract_strided_slice %convert_element_type3A_6 {offsets = [6144, 0], sizes = [128, 128], strides = [1, 1]} : vector<8192x128xbf16> to vector<128x128xbf16>
    %dot_general3A_300 = arith.constant dense<0.000000e+00> : vector<128x128xf32>
    %dot_general3A_301 = tpu.matmul %slice3A_298, %slice3A_299, %dot_general3A_300 {dimension_numbers = #tpu.dot_dimension_numbers<[1], [0], [0], [1], [0, 0, 1, 1], [], []>, transpose_lhs_hint = false} : vector<128x128xbf16>, vector<128x128xbf16>, vector<128x128xf32> -> vector<128x128xf32>
    %slice3A_302 = vector.extract_strided_slice %mul3A {offsets = [6272, 0], sizes = [128, 128], strides = [1, 1]} : vector<8192x128xbf16> to vector<128x128xbf16>
    %slice3A_303 = vector.extract_strided_slice %convert_element_type3A_6 {offsets = [6272, 0], sizes = [128, 128], strides = [1, 1]} : vector<8192x128xbf16> to vector<128x128xbf16>
    %dot_general3A_304 = arith.constant dense<0.000000e+00> : vector<128x128xf32>
    %dot_general3A_305 = tpu.matmul %slice3A_302, %slice3A_303, %dot_general3A_304 {dimension_numbers = #tpu.dot_dimension_numbers<[1], [0], [0], [1], [0, 0, 1, 1], [], []>, transpose_lhs_hint = false} : vector<128x128xbf16>, vector<128x128xbf16>, vector<128x128xf32> -> vector<128x128xf32>
    %slice3A_306 = vector.extract_strided_slice %mul3A {offsets = [6400, 0], sizes = [128, 128], strides = [1, 1]} : vector<8192x128xbf16> to vector<128x128xbf16>
    %slice3A_307 = vector.extract_strided_slice %convert_element_type3A_6 {offsets = [6400, 0], sizes = [128, 128], strides = [1, 1]} : vector<8192x128xbf16> to vector<128x128xbf16>
    %dot_general3A_308 = arith.constant dense<0.000000e+00> : vector<128x128xf32>
    %dot_general3A_309 = tpu.matmul %slice3A_306, %slice3A_307, %dot_general3A_308 {dimension_numbers = #tpu.dot_dimension_numbers<[1], [0], [0], [1], [0, 0, 1, 1], [], []>, transpose_lhs_hint = false} : vector<128x128xbf16>, vector<128x128xbf16>, vector<128x128xf32> -> vector<128x128xf32>
    %slice3A_310 = vector.extract_strided_slice %mul3A {offsets = [6528, 0], sizes = [128, 128], strides = [1, 1]} : vector<8192x128xbf16> to vector<128x128xbf16>
    %slice3A_311 = vector.extract_strided_slice %convert_element_type3A_6 {offsets = [6528, 0], sizes = [128, 128], strides = [1, 1]} : vector<8192x128xbf16> to vector<128x128xbf16>
    %dot_general3A_312 = arith.constant dense<0.000000e+00> : vector<128x128xf32>
    %dot_general3A_313 = tpu.matmul %slice3A_310, %slice3A_311, %dot_general3A_312 {dimension_numbers = #tpu.dot_dimension_numbers<[1], [0], [0], [1], [0, 0, 1, 1], [], []>, transpose_lhs_hint = false} : vector<128x128xbf16>, vector<128x128xbf16>, vector<128x128xf32> -> vector<128x128xf32>
    %slice3A_314 = vector.extract_strided_slice %mul3A {offsets = [6656, 0], sizes = [128, 128], strides = [1, 1]} : vector<8192x128xbf16> to vector<128x128xbf16>
    %slice3A_315 = vector.extract_strided_slice %convert_element_type3A_6 {offsets = [6656, 0], sizes = [128, 128], strides = [1, 1]} : vector<8192x128xbf16> to vector<128x128xbf16>
    %dot_general3A_316 = arith.constant dense<0.000000e+00> : vector<128x128xf32>
    %dot_general3A_317 = tpu.matmul %slice3A_314, %slice3A_315, %dot_general3A_316 {dimension_numbers = #tpu.dot_dimension_numbers<[1], [0], [0], [1], [0, 0, 1, 1], [], []>, transpose_lhs_hint = false} : vector<128x128xbf16>, vector<128x128xbf16>, vector<128x128xf32> -> vector<128x128xf32>
    %slice3A_318 = vector.extract_strided_slice %mul3A {offsets = [6784, 0], sizes = [128, 128], strides = [1, 1]} : vector<8192x128xbf16> to vector<128x128xbf16>
    %slice3A_319 = vector.extract_strided_slice %convert_element_type3A_6 {offsets = [6784, 0], sizes = [128, 128], strides = [1, 1]} : vector<8192x128xbf16> to vector<128x128xbf16>
    %dot_general3A_320 = arith.constant dense<0.000000e+00> : vector<128x128xf32>
    %dot_general3A_321 = tpu.matmul %slice3A_318, %slice3A_319, %dot_general3A_320 {dimension_numbers = #tpu.dot_dimension_numbers<[1], [0], [0], [1], [0, 0, 1, 1], [], []>, transpose_lhs_hint = false} : vector<128x128xbf16>, vector<128x128xbf16>, vector<128x128xf32> -> vector<128x128xf32>
    %slice3A_322 = vector.extract_strided_slice %mul3A {offsets = [6912, 0], sizes = [128, 128], strides = [1, 1]} : vector<8192x128xbf16> to vector<128x128xbf16>
    %slice3A_323 = vector.extract_strided_slice %convert_element_type3A_6 {offsets = [6912, 0], sizes = [128, 128], strides = [1, 1]} : vector<8192x128xbf16> to vector<128x128xbf16>
    %dot_general3A_324 = arith.constant dense<0.000000e+00> : vector<128x128xf32>
    %dot_general3A_325 = tpu.matmul %slice3A_322, %slice3A_323, %dot_general3A_324 {dimension_numbers = #tpu.dot_dimension_numbers<[1], [0], [0], [1], [0, 0, 1, 1], [], []>, transpose_lhs_hint = false} : vector<128x128xbf16>, vector<128x128xbf16>, vector<128x128xf32> -> vector<128x128xf32>
    %slice3A_326 = vector.extract_strided_slice %mul3A {offsets = [7040, 0], sizes = [128, 128], strides = [1, 1]} : vector<8192x128xbf16> to vector<128x128xbf16>
    %slice3A_327 = vector.extract_strided_slice %convert_element_type3A_6 {offsets = [7040, 0], sizes = [128, 128], strides = [1, 1]} : vector<8192x128xbf16> to vector<128x128xbf16>
    %dot_general3A_328 = arith.constant dense<0.000000e+00> : vector<128x128xf32>
    %dot_general3A_329 = tpu.matmul %slice3A_326, %slice3A_327, %dot_general3A_328 {dimension_numbers = #tpu.dot_dimension_numbers<[1], [0], [0], [1], [0, 0, 1, 1], [], []>, transpose_lhs_hint = false} : vector<128x128xbf16>, vector<128x128xbf16>, vector<128x128xf32> -> vector<128x128xf32>
    %slice3A_330 = vector.extract_strided_slice %mul3A {offsets = [7168, 0], sizes = [128, 128], strides = [1, 1]} : vector<8192x128xbf16> to vector<128x128xbf16>
    %slice3A_331 = vector.extract_strided_slice %convert_element_type3A_6 {offsets = [7168, 0], sizes = [128, 128], strides = [1, 1]} : vector<8192x128xbf16> to vector<128x128xbf16>
    %dot_general3A_332 = arith.constant dense<0.000000e+00> : vector<128x128xf32>
    %dot_general3A_333 = tpu.matmul %slice3A_330, %slice3A_331, %dot_general3A_332 {dimension_numbers = #tpu.dot_dimension_numbers<[1], [0], [0], [1], [0, 0, 1, 1], [], []>, transpose_lhs_hint = false} : vector<128x128xbf16>, vector<128x128xbf16>, vector<128x128xf32> -> vector<128x128xf32>
    %slice3A_334 = vector.extract_strided_slice %mul3A {offsets = [7296, 0], sizes = [128, 128], strides = [1, 1]} : vector<8192x128xbf16> to vector<128x128xbf16>
    %slice3A_335 = vector.extract_strided_slice %convert_element_type3A_6 {offsets = [7296, 0], sizes = [128, 128], strides = [1, 1]} : vector<8192x128xbf16> to vector<128x128xbf16>
    %dot_general3A_336 = arith.constant dense<0.000000e+00> : vector<128x128xf32>
    %dot_general3A_337 = tpu.matmul %slice3A_334, %slice3A_335, %dot_general3A_336 {dimension_numbers = #tpu.dot_dimension_numbers<[1], [0], [0], [1], [0, 0, 1, 1], [], []>, transpose_lhs_hint = false} : vector<128x128xbf16>, vector<128x128xbf16>, vector<128x128xf32> -> vector<128x128xf32>
    %slice3A_338 = vector.extract_strided_slice %mul3A {offsets = [7424, 0], sizes = [128, 128], strides = [1, 1]} : vector<8192x128xbf16> to vector<128x128xbf16>
    %slice3A_339 = vector.extract_strided_slice %convert_element_type3A_6 {offsets = [7424, 0], sizes = [128, 128], strides = [1, 1]} : vector<8192x128xbf16> to vector<128x128xbf16>
    %dot_general3A_340 = arith.constant dense<0.000000e+00> : vector<128x128xf32>
    %dot_general3A_341 = tpu.matmul %slice3A_338, %slice3A_339, %dot_general3A_340 {dimension_numbers = #tpu.dot_dimension_numbers<[1], [0], [0], [1], [0, 0, 1, 1], [], []>, transpose_lhs_hint = false} : vector<128x128xbf16>, vector<128x128xbf16>, vector<128x128xf32> -> vector<128x128xf32>
    %slice3A_342 = vector.extract_strided_slice %mul3A {offsets = [7552, 0], sizes = [128, 128], strides = [1, 1]} : vector<8192x128xbf16> to vector<128x128xbf16>
    %slice3A_343 = vector.extract_strided_slice %convert_element_type3A_6 {offsets = [7552, 0], sizes = [128, 128], strides = [1, 1]} : vector<8192x128xbf16> to vector<128x128xbf16>
    %dot_general3A_344 = arith.constant dense<0.000000e+00> : vector<128x128xf32>
    %dot_general3A_345 = tpu.matmul %slice3A_342, %slice3A_343, %dot_general3A_344 {dimension_numbers = #tpu.dot_dimension_numbers<[1], [0], [0], [1], [0, 0, 1, 1], [], []>, transpose_lhs_hint = false} : vector<128x128xbf16>, vector<128x128xbf16>, vector<128x128xf32> -> vector<128x128xf32>
    %slice3A_346 = vector.extract_strided_slice %mul3A {offsets = [7680, 0], sizes = [128, 128], strides = [1, 1]} : vector<8192x128xbf16> to vector<128x128xbf16>
    %slice3A_347 = vector.extract_strided_slice %convert_element_type3A_6 {offsets = [7680, 0], sizes = [128, 128], strides = [1, 1]} : vector<8192x128xbf16> to vector<128x128xbf16>
    %dot_general3A_348 = arith.constant dense<0.000000e+00> : vector<128x128xf32>
    %dot_general3A_349 = tpu.matmul %slice3A_346, %slice3A_347, %dot_general3A_348 {dimension_numbers = #tpu.dot_dimension_numbers<[1], [0], [0], [1], [0, 0, 1, 1], [], []>, transpose_lhs_hint = false} : vector<128x128xbf16>, vector<128x128xbf16>, vector<128x128xf32> -> vector<128x128xf32>
    %slice3A_350 = vector.extract_strided_slice %mul3A {offsets = [7808, 0], sizes = [128, 128], strides = [1, 1]} : vector<8192x128xbf16> to vector<128x128xbf16>
    %slice3A_351 = vector.extract_strided_slice %convert_element_type3A_6 {offsets = [7808, 0], sizes = [128, 128], strides = [1, 1]} : vector<8192x128xbf16> to vector<128x128xbf16>
    %dot_general3A_352 = arith.constant dense<0.000000e+00> : vector<128x128xf32>
    %dot_general3A_353 = tpu.matmul %slice3A_350, %slice3A_351, %dot_general3A_352 {dimension_numbers = #tpu.dot_dimension_numbers<[1], [0], [0], [1], [0, 0, 1, 1], [], []>, transpose_lhs_hint = false} : vector<128x128xbf16>, vector<128x128xbf16>, vector<128x128xf32> -> vector<128x128xf32>
    %slice3A_354 = vector.extract_strided_slice %mul3A {offsets = [7936, 0], sizes = [128, 128], strides = [1, 1]} : vector<8192x128xbf16> to vector<128x128xbf16>
    %slice3A_355 = vector.extract_strided_slice %convert_element_type3A_6 {offsets = [7936, 0], sizes = [128, 128], strides = [1, 1]} : vector<8192x128xbf16> to vector<128x128xbf16>
    %dot_general3A_356 = arith.constant dense<0.000000e+00> : vector<128x128xf32>
    %dot_general3A_357 = tpu.matmul %slice3A_354, %slice3A_355, %dot_general3A_356 {dimension_numbers = #tpu.dot_dimension_numbers<[1], [0], [0], [1], [0, 0, 1, 1], [], []>, transpose_lhs_hint = false} : vector<128x128xbf16>, vector<128x128xbf16>, vector<128x128xf32> -> vector<128x128xf32>
    %slice3A_358 = vector.extract_strided_slice %mul3A {offsets = [8064, 0], sizes = [128, 128], strides = [1, 1]} : vector<8192x128xbf16> to vector<128x128xbf16>
    %slice3A_359 = vector.extract_strided_slice %convert_element_type3A_6 {offsets = [8064, 0], sizes = [128, 128], strides = [1, 1]} : vector<8192x128xbf16> to vector<128x128xbf16>
    %dot_general3A_360 = arith.constant dense<0.000000e+00> : vector<128x128xf32>
    %dot_general3A_361 = tpu.matmul %slice3A_358, %slice3A_359, %dot_general3A_360 {dimension_numbers = #tpu.dot_dimension_numbers<[1], [0], [0], [1], [0, 0, 1, 1], [], []>, transpose_lhs_hint = false} : vector<128x128xbf16>, vector<128x128xbf16>, vector<128x128xf32> -> vector<128x128xf32>
    %concatenate3A_362 = tpu.concatenate %dot_general3A_109, %dot_general3A_113, %dot_general3A_117, %dot_general3A_121, %dot_general3A_125, %dot_general3A_129, %dot_general3A_133, %dot_general3A_137, %dot_general3A_141, %dot_general3A_145, %dot_general3A_149, %dot_general3A_153, %dot_general3A_157, %dot_general3A_161, %dot_general3A_165, %dot_general3A_169, %dot_general3A_173, %dot_general3A_177, %dot_general3A_181, %dot_general3A_185, %dot_general3A_189, %dot_general3A_193, %dot_general3A_197, %dot_general3A_201, %dot_general3A_205, %dot_general3A_209, %dot_general3A_213, %dot_general3A_217, %dot_general3A_221, %dot_general3A_225, %dot_general3A_229, %dot_general3A_233, %dot_general3A_237, %dot_general3A_241, %dot_general3A_245, %dot_general3A_249, %dot_general3A_253, %dot_general3A_257, %dot_general3A_261, %dot_general3A_265, %dot_general3A_269, %dot_general3A_273, %dot_general3A_277, %dot_general3A_281, %dot_general3A_285, %dot_general3A_289, %dot_general3A_293, %dot_general3A_297, %dot_general3A_301, %dot_general3A_305, %dot_general3A_309, %dot_general3A_313, %dot_general3A_317, %dot_general3A_321, %dot_general3A_325, %dot_general3A_329, %dot_general3A_333, %dot_general3A_337, %dot_general3A_341, %dot_general3A_345, %dot_general3A_349, %dot_general3A_353, %dot_general3A_357, %dot_general3A_361 in 0 : vector<128x128xf32>, vector<128x128xf32>, vector<128x128xf32>, vector<128x128xf32>, vector<128x128xf32>, vector<128x128xf32>, vector<128x128xf32>, vector<128x128xf32>, vector<128x128xf32>, vector<128x128xf32>, vector<128x128xf32>, vector<128x128xf32>, vector<128x128xf32>, vector<128x128xf32>, vector<128x128xf32>, vector<128x128xf32>, vector<128x128xf32>, vector<128x128xf32>, vector<128x128xf32>, vector<128x128xf32>, vector<128x128xf32>, vector<128x128xf32>, vector<128x128xf32>, vector<128x128xf32>, vector<128x128xf32>, vector<128x128xf32>, vector<128x128xf32>, vector<128x128xf32>, vector<128x128xf32>, vector<128x128xf32>, vector<128x128xf32>, vector<128x128xf32>, vector<128x128xf32>, vector<128x128xf32>, vector<128x128xf32>, vector<128x128xf32>, vector<128x128xf32>, vector<128x128xf32>, vector<128x128xf32>, vector<128x128xf32>, vector<128x128xf32>, vector<128x128xf32>, vector<128x128xf32>, vector<128x128xf32>, vector<128x128xf32>, vector<128x128xf32>, vector<128x128xf32>, vector<128x128xf32>, vector<128x128xf32>, vector<128x128xf32>, vector<128x128xf32>, vector<128x128xf32>, vector<128x128xf32>, vector<128x128xf32>, vector<128x128xf32>, vector<128x128xf32>, vector<128x128xf32>, vector<128x128xf32>, vector<128x128xf32>, vector<128x128xf32>, vector<128x128xf32>, vector<128x128xf32>, vector<128x128xf32>, vector<128x128xf32> -> vector<8192x128xf32>
    %mul3A_363 = arith.mulf %concatenate3A_362, %div3A_17 : vector<8192x128xf32>
    %get3A_364 = arith.constant 0 : index
    %get3A_365 = arith.constant 0 : index
    %get3A_366 = vector.load %arg4[%get3A_364, %get3A_365] : memref<1x128xf32, #tpu.memory_space<vmem>>, vector<1x128xf32>
    %add3A_367 = vector.broadcast %get3A_366 : vector<1x128xf32> to vector<8192x128xf32>
    %add3A_368 = arith.addf %mul3A_363, %add3A_367 : vector<8192x128xf32>
    %convert_element_type3A_369 = arith.truncf %add3A_368 : vector<8192x128xf32> to vector<8192x128xbf16>
    %gt3A = arith.constant 0.000000e+00 : bf16
    %gt3A_370 = vector.broadcast %gt3A : bf16 to vector<8192x128xbf16>
    %gt3A_371 = arith.cmpf ogt, %convert_element_type3A_369, %gt3A_370 : vector<8192x128xbf16>
    %exp3A = math.exp %convert_element_type3A_369 : vector<8192x128xbf16>
    %sub3A_372 = arith.constant 1.000000e+00 : bf16
    %sub3A_373 = vector.broadcast %sub3A_372 : bf16 to vector<8192x128xbf16>
    %sub3A_374 = arith.subf %exp3A, %sub3A_373 : vector<8192x128xbf16>
    %select_n3A_375 = arith.select %gt3A_371, %convert_element_type3A_369, %sub3A_374 : vector<8192x128xi1>, vector<8192x128xbf16>
    %iota3A_376 = tpu.iota {dimensions = array<i32: 1>} : vector<8x128xi32>
    %iota3A_377 = tpu.iota {dimensions = array<i32: 0>} : vector<8x128xi32>
    %jit3A_378 = arith.constant 16 : i32
    %div3A_379 = vector.broadcast %jit3A_378 : i32 to vector<8x128xi32>
    %div3A_380 = arith.divsi %iota3A_376, %div3A_379 : vector<8x128xi32>
    %sign3A_381 = arith.constant 0 : i32
    %sign3A_382 = vector.broadcast %sign3A_381 : i32 to vector<8x128xi32>
    %sign3A_383 = arith.cmpi sgt, %iota3A_376, %sign3A_382 : vector<8x128xi32>
    %sign3A_384 = arith.extui %sign3A_383 : vector<8x128xi1> to vector<8x128xi32>
    %sign3A_385 = arith.constant 0 : i32
    %sign3A_386 = vector.broadcast %sign3A_385 : i32 to vector<8x128xi32>
    %sign3A_387 = arith.cmpi slt, %iota3A_376, %sign3A_386 : vector<8x128xi32>
    %sign3A_388 = arith.extui %sign3A_387 : vector<8x128xi1> to vector<8x128xi32>
    %sign3A_389 = arith.subi %sign3A_384, %sign3A_388 : vector<8x128xi32>
    %sign3A_390 = arith.constant 0 : i32
    %sign3A_391 = arith.cmpi sgt, %jit3A_378, %sign3A_390 : i32
    %sign3A_392 = arith.extui %sign3A_391 : i1 to i32
    %sign3A_393 = arith.constant 0 : i32
    %sign3A_394 = arith.cmpi slt, %jit3A_378, %sign3A_393 : i32
    %sign3A_395 = arith.extui %sign3A_394 : i1 to i32
    %sign3A_396 = arith.subi %sign3A_392, %sign3A_395 : i32
    %ne3A_397 = vector.broadcast %sign3A_396 : i32 to vector<8x128xi32>
    %ne3A_398 = arith.cmpi ne, %sign3A_389, %ne3A_397 : vector<8x128xi32>
    %rem3A_399 = vector.broadcast %jit3A_378 : i32 to vector<8x128xi32>
    %rem3A_400 = arith.remsi %iota3A_376, %rem3A_399 : vector<8x128xi32>
    %ne3A_401 = arith.constant 0 : i32
    %ne3A_402 = vector.broadcast %ne3A_401 : i32 to vector<8x128xi32>
    %ne3A_403 = arith.cmpi ne, %rem3A_400, %ne3A_402 : vector<8x128xi32>
    %and3A_404 = arith.andi %ne3A_398, %ne3A_403 : vector<8x128xi1>
    %sub3A_405 = arith.constant 1 : i32
    %sub3A_406 = vector.broadcast %sub3A_405 : i32 to vector<8x128xi32>
    %sub3A_407 = arith.subi %div3A_380, %sub3A_406 : vector<8x128xi32>
    %select_n3A_408 = arith.select %and3A_404, %sub3A_407, %div3A_380 : vector<8x128xi1>, vector<8x128xi32>
    %eq3A_409 = arith.cmpi eq, %select_n3A_408, %iota3A_377 : vector<8x128xi32>
    %convert_element_type3A_410 = arith.extui %eq3A_409 : vector<8x128xi1> to vector<8x128xi32>
    %convert_element_type3A_411 = arith.sitofp %convert_element_type3A_410 : vector<8x128xi32> to vector<8x128xf32>
    %convert_element_type3A_412 = arith.truncf %convert_element_type3A_411 : vector<8x128xf32> to vector<8x128xbf16>
    %slice3A_413 = vector.extract_strided_slice %select_n3A_375 {offsets = [0, 0], sizes = [128, 128], strides = [1, 1]} : vector<8192x128xbf16> to vector<128x128xbf16>
    %dot_general3A_414 = arith.constant dense<0.000000e+00> : vector<8x128xf32>
    %dot_general3A_415 = tpu.matmul %convert_element_type3A_412, %slice3A_413, %dot_general3A_414 {dimension_numbers = #tpu.dot_dimension_numbers<[1], [0], [0], [1], [0, 0, 1, 1], [], []>, transpose_lhs_hint = false} : vector<8x128xbf16>, vector<128x128xbf16>, vector<8x128xf32> -> vector<8x128xf32>
    %slice3A_416 = vector.extract_strided_slice %select_n3A_375 {offsets = [128, 0], sizes = [128, 128], strides = [1, 1]} : vector<8192x128xbf16> to vector<128x128xbf16>
    %dot_general3A_417 = arith.constant dense<0.000000e+00> : vector<8x128xf32>
    %dot_general3A_418 = tpu.matmul %convert_element_type3A_412, %slice3A_416, %dot_general3A_417 {dimension_numbers = #tpu.dot_dimension_numbers<[1], [0], [0], [1], [0, 0, 1, 1], [], []>, transpose_lhs_hint = false} : vector<8x128xbf16>, vector<128x128xbf16>, vector<8x128xf32> -> vector<8x128xf32>
    %slice3A_419 = vector.extract_strided_slice %select_n3A_375 {offsets = [256, 0], sizes = [128, 128], strides = [1, 1]} : vector<8192x128xbf16> to vector<128x128xbf16>
    %dot_general3A_420 = arith.constant dense<0.000000e+00> : vector<8x128xf32>
    %dot_general3A_421 = tpu.matmul %convert_element_type3A_412, %slice3A_419, %dot_general3A_420 {dimension_numbers = #tpu.dot_dimension_numbers<[1], [0], [0], [1], [0, 0, 1, 1], [], []>, transpose_lhs_hint = false} : vector<8x128xbf16>, vector<128x128xbf16>, vector<8x128xf32> -> vector<8x128xf32>
    %slice3A_422 = vector.extract_strided_slice %select_n3A_375 {offsets = [384, 0], sizes = [128, 128], strides = [1, 1]} : vector<8192x128xbf16> to vector<128x128xbf16>
    %dot_general3A_423 = arith.constant dense<0.000000e+00> : vector<8x128xf32>
    %dot_general3A_424 = tpu.matmul %convert_element_type3A_412, %slice3A_422, %dot_general3A_423 {dimension_numbers = #tpu.dot_dimension_numbers<[1], [0], [0], [1], [0, 0, 1, 1], [], []>, transpose_lhs_hint = false} : vector<8x128xbf16>, vector<128x128xbf16>, vector<8x128xf32> -> vector<8x128xf32>
    %slice3A_425 = vector.extract_strided_slice %select_n3A_375 {offsets = [512, 0], sizes = [128, 128], strides = [1, 1]} : vector<8192x128xbf16> to vector<128x128xbf16>
    %dot_general3A_426 = arith.constant dense<0.000000e+00> : vector<8x128xf32>
    %dot_general3A_427 = tpu.matmul %convert_element_type3A_412, %slice3A_425, %dot_general3A_426 {dimension_numbers = #tpu.dot_dimension_numbers<[1], [0], [0], [1], [0, 0, 1, 1], [], []>, transpose_lhs_hint = false} : vector<8x128xbf16>, vector<128x128xbf16>, vector<8x128xf32> -> vector<8x128xf32>
    %slice3A_428 = vector.extract_strided_slice %select_n3A_375 {offsets = [640, 0], sizes = [128, 128], strides = [1, 1]} : vector<8192x128xbf16> to vector<128x128xbf16>
    %dot_general3A_429 = arith.constant dense<0.000000e+00> : vector<8x128xf32>
    %dot_general3A_430 = tpu.matmul %convert_element_type3A_412, %slice3A_428, %dot_general3A_429 {dimension_numbers = #tpu.dot_dimension_numbers<[1], [0], [0], [1], [0, 0, 1, 1], [], []>, transpose_lhs_hint = false} : vector<8x128xbf16>, vector<128x128xbf16>, vector<8x128xf32> -> vector<8x128xf32>
    %slice3A_431 = vector.extract_strided_slice %select_n3A_375 {offsets = [768, 0], sizes = [128, 128], strides = [1, 1]} : vector<8192x128xbf16> to vector<128x128xbf16>
    %dot_general3A_432 = arith.constant dense<0.000000e+00> : vector<8x128xf32>
    %dot_general3A_433 = tpu.matmul %convert_element_type3A_412, %slice3A_431, %dot_general3A_432 {dimension_numbers = #tpu.dot_dimension_numbers<[1], [0], [0], [1], [0, 0, 1, 1], [], []>, transpose_lhs_hint = false} : vector<8x128xbf16>, vector<128x128xbf16>, vector<8x128xf32> -> vector<8x128xf32>
    %slice3A_434 = vector.extract_strided_slice %select_n3A_375 {offsets = [896, 0], sizes = [128, 128], strides = [1, 1]} : vector<8192x128xbf16> to vector<128x128xbf16>
    %dot_general3A_435 = arith.constant dense<0.000000e+00> : vector<8x128xf32>
    %dot_general3A_436 = tpu.matmul %convert_element_type3A_412, %slice3A_434, %dot_general3A_435 {dimension_numbers = #tpu.dot_dimension_numbers<[1], [0], [0], [1], [0, 0, 1, 1], [], []>, transpose_lhs_hint = false} : vector<8x128xbf16>, vector<128x128xbf16>, vector<8x128xf32> -> vector<8x128xf32>
    %slice3A_437 = vector.extract_strided_slice %select_n3A_375 {offsets = [1024, 0], sizes = [128, 128], strides = [1, 1]} : vector<8192x128xbf16> to vector<128x128xbf16>
    %dot_general3A_438 = arith.constant dense<0.000000e+00> : vector<8x128xf32>
    %dot_general3A_439 = tpu.matmul %convert_element_type3A_412, %slice3A_437, %dot_general3A_438 {dimension_numbers = #tpu.dot_dimension_numbers<[1], [0], [0], [1], [0, 0, 1, 1], [], []>, transpose_lhs_hint = false} : vector<8x128xbf16>, vector<128x128xbf16>, vector<8x128xf32> -> vector<8x128xf32>
    %slice3A_440 = vector.extract_strided_slice %select_n3A_375 {offsets = [1152, 0], sizes = [128, 128], strides = [1, 1]} : vector<8192x128xbf16> to vector<128x128xbf16>
    %dot_general3A_441 = arith.constant dense<0.000000e+00> : vector<8x128xf32>
    %dot_general3A_442 = tpu.matmul %convert_element_type3A_412, %slice3A_440, %dot_general3A_441 {dimension_numbers = #tpu.dot_dimension_numbers<[1], [0], [0], [1], [0, 0, 1, 1], [], []>, transpose_lhs_hint = false} : vector<8x128xbf16>, vector<128x128xbf16>, vector<8x128xf32> -> vector<8x128xf32>
    %slice3A_443 = vector.extract_strided_slice %select_n3A_375 {offsets = [1280, 0], sizes = [128, 128], strides = [1, 1]} : vector<8192x128xbf16> to vector<128x128xbf16>
    %dot_general3A_444 = arith.constant dense<0.000000e+00> : vector<8x128xf32>
    %dot_general3A_445 = tpu.matmul %convert_element_type3A_412, %slice3A_443, %dot_general3A_444 {dimension_numbers = #tpu.dot_dimension_numbers<[1], [0], [0], [1], [0, 0, 1, 1], [], []>, transpose_lhs_hint = false} : vector<8x128xbf16>, vector<128x128xbf16>, vector<8x128xf32> -> vector<8x128xf32>
    %slice3A_446 = vector.extract_strided_slice %select_n3A_375 {offsets = [1408, 0], sizes = [128, 128], strides = [1, 1]} : vector<8192x128xbf16> to vector<128x128xbf16>
    %dot_general3A_447 = arith.constant dense<0.000000e+00> : vector<8x128xf32>
    %dot_general3A_448 = tpu.matmul %convert_element_type3A_412, %slice3A_446, %dot_general3A_447 {dimension_numbers = #tpu.dot_dimension_numbers<[1], [0], [0], [1], [0, 0, 1, 1], [], []>, transpose_lhs_hint = false} : vector<8x128xbf16>, vector<128x128xbf16>, vector<8x128xf32> -> vector<8x128xf32>
    %slice3A_449 = vector.extract_strided_slice %select_n3A_375 {offsets = [1536, 0], sizes = [128, 128], strides = [1, 1]} : vector<8192x128xbf16> to vector<128x128xbf16>
    %dot_general3A_450 = arith.constant dense<0.000000e+00> : vector<8x128xf32>
    %dot_general3A_451 = tpu.matmul %convert_element_type3A_412, %slice3A_449, %dot_general3A_450 {dimension_numbers = #tpu.dot_dimension_numbers<[1], [0], [0], [1], [0, 0, 1, 1], [], []>, transpose_lhs_hint = false} : vector<8x128xbf16>, vector<128x128xbf16>, vector<8x128xf32> -> vector<8x128xf32>
    %slice3A_452 = vector.extract_strided_slice %select_n3A_375 {offsets = [1664, 0], sizes = [128, 128], strides = [1, 1]} : vector<8192x128xbf16> to vector<128x128xbf16>
    %dot_general3A_453 = arith.constant dense<0.000000e+00> : vector<8x128xf32>
    %dot_general3A_454 = tpu.matmul %convert_element_type3A_412, %slice3A_452, %dot_general3A_453 {dimension_numbers = #tpu.dot_dimension_numbers<[1], [0], [0], [1], [0, 0, 1, 1], [], []>, transpose_lhs_hint = false} : vector<8x128xbf16>, vector<128x128xbf16>, vector<8x128xf32> -> vector<8x128xf32>
    %slice3A_455 = vector.extract_strided_slice %select_n3A_375 {offsets = [1792, 0], sizes = [128, 128], strides = [1, 1]} : vector<8192x128xbf16> to vector<128x128xbf16>
    %dot_general3A_456 = arith.constant dense<0.000000e+00> : vector<8x128xf32>
    %dot_general3A_457 = tpu.matmul %convert_element_type3A_412, %slice3A_455, %dot_general3A_456 {dimension_numbers = #tpu.dot_dimension_numbers<[1], [0], [0], [1], [0, 0, 1, 1], [], []>, transpose_lhs_hint = false} : vector<8x128xbf16>, vector<128x128xbf16>, vector<8x128xf32> -> vector<8x128xf32>
    %slice3A_458 = vector.extract_strided_slice %select_n3A_375 {offsets = [1920, 0], sizes = [128, 128], strides = [1, 1]} : vector<8192x128xbf16> to vector<128x128xbf16>
    %dot_general3A_459 = arith.constant dense<0.000000e+00> : vector<8x128xf32>
    %dot_general3A_460 = tpu.matmul %convert_element_type3A_412, %slice3A_458, %dot_general3A_459 {dimension_numbers = #tpu.dot_dimension_numbers<[1], [0], [0], [1], [0, 0, 1, 1], [], []>, transpose_lhs_hint = false} : vector<8x128xbf16>, vector<128x128xbf16>, vector<8x128xf32> -> vector<8x128xf32>
    %slice3A_461 = vector.extract_strided_slice %select_n3A_375 {offsets = [2048, 0], sizes = [128, 128], strides = [1, 1]} : vector<8192x128xbf16> to vector<128x128xbf16>
    %dot_general3A_462 = arith.constant dense<0.000000e+00> : vector<8x128xf32>
    %dot_general3A_463 = tpu.matmul %convert_element_type3A_412, %slice3A_461, %dot_general3A_462 {dimension_numbers = #tpu.dot_dimension_numbers<[1], [0], [0], [1], [0, 0, 1, 1], [], []>, transpose_lhs_hint = false} : vector<8x128xbf16>, vector<128x128xbf16>, vector<8x128xf32> -> vector<8x128xf32>
    %slice3A_464 = vector.extract_strided_slice %select_n3A_375 {offsets = [2176, 0], sizes = [128, 128], strides = [1, 1]} : vector<8192x128xbf16> to vector<128x128xbf16>
    %dot_general3A_465 = arith.constant dense<0.000000e+00> : vector<8x128xf32>
    %dot_general3A_466 = tpu.matmul %convert_element_type3A_412, %slice3A_464, %dot_general3A_465 {dimension_numbers = #tpu.dot_dimension_numbers<[1], [0], [0], [1], [0, 0, 1, 1], [], []>, transpose_lhs_hint = false} : vector<8x128xbf16>, vector<128x128xbf16>, vector<8x128xf32> -> vector<8x128xf32>
    %slice3A_467 = vector.extract_strided_slice %select_n3A_375 {offsets = [2304, 0], sizes = [128, 128], strides = [1, 1]} : vector<8192x128xbf16> to vector<128x128xbf16>
    %dot_general3A_468 = arith.constant dense<0.000000e+00> : vector<8x128xf32>
    %dot_general3A_469 = tpu.matmul %convert_element_type3A_412, %slice3A_467, %dot_general3A_468 {dimension_numbers = #tpu.dot_dimension_numbers<[1], [0], [0], [1], [0, 0, 1, 1], [], []>, transpose_lhs_hint = false} : vector<8x128xbf16>, vector<128x128xbf16>, vector<8x128xf32> -> vector<8x128xf32>
    %slice3A_470 = vector.extract_strided_slice %select_n3A_375 {offsets = [2432, 0], sizes = [128, 128], strides = [1, 1]} : vector<8192x128xbf16> to vector<128x128xbf16>
    %dot_general3A_471 = arith.constant dense<0.000000e+00> : vector<8x128xf32>
    %dot_general3A_472 = tpu.matmul %convert_element_type3A_412, %slice3A_470, %dot_general3A_471 {dimension_numbers = #tpu.dot_dimension_numbers<[1], [0], [0], [1], [0, 0, 1, 1], [], []>, transpose_lhs_hint = false} : vector<8x128xbf16>, vector<128x128xbf16>, vector<8x128xf32> -> vector<8x128xf32>
    %slice3A_473 = vector.extract_strided_slice %select_n3A_375 {offsets = [2560, 0], sizes = [128, 128], strides = [1, 1]} : vector<8192x128xbf16> to vector<128x128xbf16>
    %dot_general3A_474 = arith.constant dense<0.000000e+00> : vector<8x128xf32>
    %dot_general3A_475 = tpu.matmul %convert_element_type3A_412, %slice3A_473, %dot_general3A_474 {dimension_numbers = #tpu.dot_dimension_numbers<[1], [0], [0], [1], [0, 0, 1, 1], [], []>, transpose_lhs_hint = false} : vector<8x128xbf16>, vector<128x128xbf16>, vector<8x128xf32> -> vector<8x128xf32>
    %slice3A_476 = vector.extract_strided_slice %select_n3A_375 {offsets = [2688, 0], sizes = [128, 128], strides = [1, 1]} : vector<8192x128xbf16> to vector<128x128xbf16>
    %dot_general3A_477 = arith.constant dense<0.000000e+00> : vector<8x128xf32>
    %dot_general3A_478 = tpu.matmul %convert_element_type3A_412, %slice3A_476, %dot_general3A_477 {dimension_numbers = #tpu.dot_dimension_numbers<[1], [0], [0], [1], [0, 0, 1, 1], [], []>, transpose_lhs_hint = false} : vector<8x128xbf16>, vector<128x128xbf16>, vector<8x128xf32> -> vector<8x128xf32>
    %slice3A_479 = vector.extract_strided_slice %select_n3A_375 {offsets = [2816, 0], sizes = [128, 128], strides = [1, 1]} : vector<8192x128xbf16> to vector<128x128xbf16>
    %dot_general3A_480 = arith.constant dense<0.000000e+00> : vector<8x128xf32>
    %dot_general3A_481 = tpu.matmul %convert_element_type3A_412, %slice3A_479, %dot_general3A_480 {dimension_numbers = #tpu.dot_dimension_numbers<[1], [0], [0], [1], [0, 0, 1, 1], [], []>, transpose_lhs_hint = false} : vector<8x128xbf16>, vector<128x128xbf16>, vector<8x128xf32> -> vector<8x128xf32>
    %slice3A_482 = vector.extract_strided_slice %select_n3A_375 {offsets = [2944, 0], sizes = [128, 128], strides = [1, 1]} : vector<8192x128xbf16> to vector<128x128xbf16>
    %dot_general3A_483 = arith.constant dense<0.000000e+00> : vector<8x128xf32>
    %dot_general3A_484 = tpu.matmul %convert_element_type3A_412, %slice3A_482, %dot_general3A_483 {dimension_numbers = #tpu.dot_dimension_numbers<[1], [0], [0], [1], [0, 0, 1, 1], [], []>, transpose_lhs_hint = false} : vector<8x128xbf16>, vector<128x128xbf16>, vector<8x128xf32> -> vector<8x128xf32>
    %slice3A_485 = vector.extract_strided_slice %select_n3A_375 {offsets = [3072, 0], sizes = [128, 128], strides = [1, 1]} : vector<8192x128xbf16> to vector<128x128xbf16>
    %dot_general3A_486 = arith.constant dense<0.000000e+00> : vector<8x128xf32>
    %dot_general3A_487 = tpu.matmul %convert_element_type3A_412, %slice3A_485, %dot_general3A_486 {dimension_numbers = #tpu.dot_dimension_numbers<[1], [0], [0], [1], [0, 0, 1, 1], [], []>, transpose_lhs_hint = false} : vector<8x128xbf16>, vector<128x128xbf16>, vector<8x128xf32> -> vector<8x128xf32>
    %slice3A_488 = vector.extract_strided_slice %select_n3A_375 {offsets = [3200, 0], sizes = [128, 128], strides = [1, 1]} : vector<8192x128xbf16> to vector<128x128xbf16>
    %dot_general3A_489 = arith.constant dense<0.000000e+00> : vector<8x128xf32>
    %dot_general3A_490 = tpu.matmul %convert_element_type3A_412, %slice3A_488, %dot_general3A_489 {dimension_numbers = #tpu.dot_dimension_numbers<[1], [0], [0], [1], [0, 0, 1, 1], [], []>, transpose_lhs_hint = false} : vector<8x128xbf16>, vector<128x128xbf16>, vector<8x128xf32> -> vector<8x128xf32>
    %slice3A_491 = vector.extract_strided_slice %select_n3A_375 {offsets = [3328, 0], sizes = [128, 128], strides = [1, 1]} : vector<8192x128xbf16> to vector<128x128xbf16>
    %dot_general3A_492 = arith.constant dense<0.000000e+00> : vector<8x128xf32>
    %dot_general3A_493 = tpu.matmul %convert_element_type3A_412, %slice3A_491, %dot_general3A_492 {dimension_numbers = #tpu.dot_dimension_numbers<[1], [0], [0], [1], [0, 0, 1, 1], [], []>, transpose_lhs_hint = false} : vector<8x128xbf16>, vector<128x128xbf16>, vector<8x128xf32> -> vector<8x128xf32>
    %slice3A_494 = vector.extract_strided_slice %select_n3A_375 {offsets = [3456, 0], sizes = [128, 128], strides = [1, 1]} : vector<8192x128xbf16> to vector<128x128xbf16>
    %dot_general3A_495 = arith.constant dense<0.000000e+00> : vector<8x128xf32>
    %dot_general3A_496 = tpu.matmul %convert_element_type3A_412, %slice3A_494, %dot_general3A_495 {dimension_numbers = #tpu.dot_dimension_numbers<[1], [0], [0], [1], [0, 0, 1, 1], [], []>, transpose_lhs_hint = false} : vector<8x128xbf16>, vector<128x128xbf16>, vector<8x128xf32> -> vector<8x128xf32>
    %slice3A_497 = vector.extract_strided_slice %select_n3A_375 {offsets = [3584, 0], sizes = [128, 128], strides = [1, 1]} : vector<8192x128xbf16> to vector<128x128xbf16>
    %dot_general3A_498 = arith.constant dense<0.000000e+00> : vector<8x128xf32>
    %dot_general3A_499 = tpu.matmul %convert_element_type3A_412, %slice3A_497, %dot_general3A_498 {dimension_numbers = #tpu.dot_dimension_numbers<[1], [0], [0], [1], [0, 0, 1, 1], [], []>, transpose_lhs_hint = false} : vector<8x128xbf16>, vector<128x128xbf16>, vector<8x128xf32> -> vector<8x128xf32>
    %slice3A_500 = vector.extract_strided_slice %select_n3A_375 {offsets = [3712, 0], sizes = [128, 128], strides = [1, 1]} : vector<8192x128xbf16> to vector<128x128xbf16>
    %dot_general3A_501 = arith.constant dense<0.000000e+00> : vector<8x128xf32>
    %dot_general3A_502 = tpu.matmul %convert_element_type3A_412, %slice3A_500, %dot_general3A_501 {dimension_numbers = #tpu.dot_dimension_numbers<[1], [0], [0], [1], [0, 0, 1, 1], [], []>, transpose_lhs_hint = false} : vector<8x128xbf16>, vector<128x128xbf16>, vector<8x128xf32> -> vector<8x128xf32>
    %slice3A_503 = vector.extract_strided_slice %select_n3A_375 {offsets = [3840, 0], sizes = [128, 128], strides = [1, 1]} : vector<8192x128xbf16> to vector<128x128xbf16>
    %dot_general3A_504 = arith.constant dense<0.000000e+00> : vector<8x128xf32>
    %dot_general3A_505 = tpu.matmul %convert_element_type3A_412, %slice3A_503, %dot_general3A_504 {dimension_numbers = #tpu.dot_dimension_numbers<[1], [0], [0], [1], [0, 0, 1, 1], [], []>, transpose_lhs_hint = false} : vector<8x128xbf16>, vector<128x128xbf16>, vector<8x128xf32> -> vector<8x128xf32>
    %slice3A_506 = vector.extract_strided_slice %select_n3A_375 {offsets = [3968, 0], sizes = [128, 128], strides = [1, 1]} : vector<8192x128xbf16> to vector<128x128xbf16>
    %dot_general3A_507 = arith.constant dense<0.000000e+00> : vector<8x128xf32>
    %dot_general3A_508 = tpu.matmul %convert_element_type3A_412, %slice3A_506, %dot_general3A_507 {dimension_numbers = #tpu.dot_dimension_numbers<[1], [0], [0], [1], [0, 0, 1, 1], [], []>, transpose_lhs_hint = false} : vector<8x128xbf16>, vector<128x128xbf16>, vector<8x128xf32> -> vector<8x128xf32>
    %slice3A_509 = vector.extract_strided_slice %select_n3A_375 {offsets = [4096, 0], sizes = [128, 128], strides = [1, 1]} : vector<8192x128xbf16> to vector<128x128xbf16>
    %dot_general3A_510 = arith.constant dense<0.000000e+00> : vector<8x128xf32>
    %dot_general3A_511 = tpu.matmul %convert_element_type3A_412, %slice3A_509, %dot_general3A_510 {dimension_numbers = #tpu.dot_dimension_numbers<[1], [0], [0], [1], [0, 0, 1, 1], [], []>, transpose_lhs_hint = false} : vector<8x128xbf16>, vector<128x128xbf16>, vector<8x128xf32> -> vector<8x128xf32>
    %slice3A_512 = vector.extract_strided_slice %select_n3A_375 {offsets = [4224, 0], sizes = [128, 128], strides = [1, 1]} : vector<8192x128xbf16> to vector<128x128xbf16>
    %dot_general3A_513 = arith.constant dense<0.000000e+00> : vector<8x128xf32>
    %dot_general3A_514 = tpu.matmul %convert_element_type3A_412, %slice3A_512, %dot_general3A_513 {dimension_numbers = #tpu.dot_dimension_numbers<[1], [0], [0], [1], [0, 0, 1, 1], [], []>, transpose_lhs_hint = false} : vector<8x128xbf16>, vector<128x128xbf16>, vector<8x128xf32> -> vector<8x128xf32>
    %slice3A_515 = vector.extract_strided_slice %select_n3A_375 {offsets = [4352, 0], sizes = [128, 128], strides = [1, 1]} : vector<8192x128xbf16> to vector<128x128xbf16>
    %dot_general3A_516 = arith.constant dense<0.000000e+00> : vector<8x128xf32>
    %dot_general3A_517 = tpu.matmul %convert_element_type3A_412, %slice3A_515, %dot_general3A_516 {dimension_numbers = #tpu.dot_dimension_numbers<[1], [0], [0], [1], [0, 0, 1, 1], [], []>, transpose_lhs_hint = false} : vector<8x128xbf16>, vector<128x128xbf16>, vector<8x128xf32> -> vector<8x128xf32>
    %slice3A_518 = vector.extract_strided_slice %select_n3A_375 {offsets = [4480, 0], sizes = [128, 128], strides = [1, 1]} : vector<8192x128xbf16> to vector<128x128xbf16>
    %dot_general3A_519 = arith.constant dense<0.000000e+00> : vector<8x128xf32>
    %dot_general3A_520 = tpu.matmul %convert_element_type3A_412, %slice3A_518, %dot_general3A_519 {dimension_numbers = #tpu.dot_dimension_numbers<[1], [0], [0], [1], [0, 0, 1, 1], [], []>, transpose_lhs_hint = false} : vector<8x128xbf16>, vector<128x128xbf16>, vector<8x128xf32> -> vector<8x128xf32>
    %slice3A_521 = vector.extract_strided_slice %select_n3A_375 {offsets = [4608, 0], sizes = [128, 128], strides = [1, 1]} : vector<8192x128xbf16> to vector<128x128xbf16>
    %dot_general3A_522 = arith.constant dense<0.000000e+00> : vector<8x128xf32>
    %dot_general3A_523 = tpu.matmul %convert_element_type3A_412, %slice3A_521, %dot_general3A_522 {dimension_numbers = #tpu.dot_dimension_numbers<[1], [0], [0], [1], [0, 0, 1, 1], [], []>, transpose_lhs_hint = false} : vector<8x128xbf16>, vector<128x128xbf16>, vector<8x128xf32> -> vector<8x128xf32>
    %slice3A_524 = vector.extract_strided_slice %select_n3A_375 {offsets = [4736, 0], sizes = [128, 128], strides = [1, 1]} : vector<8192x128xbf16> to vector<128x128xbf16>
    %dot_general3A_525 = arith.constant dense<0.000000e+00> : vector<8x128xf32>
    %dot_general3A_526 = tpu.matmul %convert_element_type3A_412, %slice3A_524, %dot_general3A_525 {dimension_numbers = #tpu.dot_dimension_numbers<[1], [0], [0], [1], [0, 0, 1, 1], [], []>, transpose_lhs_hint = false} : vector<8x128xbf16>, vector<128x128xbf16>, vector<8x128xf32> -> vector<8x128xf32>
    %slice3A_527 = vector.extract_strided_slice %select_n3A_375 {offsets = [4864, 0], sizes = [128, 128], strides = [1, 1]} : vector<8192x128xbf16> to vector<128x128xbf16>
    %dot_general3A_528 = arith.constant dense<0.000000e+00> : vector<8x128xf32>
    %dot_general3A_529 = tpu.matmul %convert_element_type3A_412, %slice3A_527, %dot_general3A_528 {dimension_numbers = #tpu.dot_dimension_numbers<[1], [0], [0], [1], [0, 0, 1, 1], [], []>, transpose_lhs_hint = false} : vector<8x128xbf16>, vector<128x128xbf16>, vector<8x128xf32> -> vector<8x128xf32>
    %slice3A_530 = vector.extract_strided_slice %select_n3A_375 {offsets = [4992, 0], sizes = [128, 128], strides = [1, 1]} : vector<8192x128xbf16> to vector<128x128xbf16>
    %dot_general3A_531 = arith.constant dense<0.000000e+00> : vector<8x128xf32>
    %dot_general3A_532 = tpu.matmul %convert_element_type3A_412, %slice3A_530, %dot_general3A_531 {dimension_numbers = #tpu.dot_dimension_numbers<[1], [0], [0], [1], [0, 0, 1, 1], [], []>, transpose_lhs_hint = false} : vector<8x128xbf16>, vector<128x128xbf16>, vector<8x128xf32> -> vector<8x128xf32>
    %slice3A_533 = vector.extract_strided_slice %select_n3A_375 {offsets = [5120, 0], sizes = [128, 128], strides = [1, 1]} : vector<8192x128xbf16> to vector<128x128xbf16>
    %dot_general3A_534 = arith.constant dense<0.000000e+00> : vector<8x128xf32>
    %dot_general3A_535 = tpu.matmul %convert_element_type3A_412, %slice3A_533, %dot_general3A_534 {dimension_numbers = #tpu.dot_dimension_numbers<[1], [0], [0], [1], [0, 0, 1, 1], [], []>, transpose_lhs_hint = false} : vector<8x128xbf16>, vector<128x128xbf16>, vector<8x128xf32> -> vector<8x128xf32>
    %slice3A_536 = vector.extract_strided_slice %select_n3A_375 {offsets = [5248, 0], sizes = [128, 128], strides = [1, 1]} : vector<8192x128xbf16> to vector<128x128xbf16>
    %dot_general3A_537 = arith.constant dense<0.000000e+00> : vector<8x128xf32>
    %dot_general3A_538 = tpu.matmul %convert_element_type3A_412, %slice3A_536, %dot_general3A_537 {dimension_numbers = #tpu.dot_dimension_numbers<[1], [0], [0], [1], [0, 0, 1, 1], [], []>, transpose_lhs_hint = false} : vector<8x128xbf16>, vector<128x128xbf16>, vector<8x128xf32> -> vector<8x128xf32>
    %slice3A_539 = vector.extract_strided_slice %select_n3A_375 {offsets = [5376, 0], sizes = [128, 128], strides = [1, 1]} : vector<8192x128xbf16> to vector<128x128xbf16>
    %dot_general3A_540 = arith.constant dense<0.000000e+00> : vector<8x128xf32>
    %dot_general3A_541 = tpu.matmul %convert_element_type3A_412, %slice3A_539, %dot_general3A_540 {dimension_numbers = #tpu.dot_dimension_numbers<[1], [0], [0], [1], [0, 0, 1, 1], [], []>, transpose_lhs_hint = false} : vector<8x128xbf16>, vector<128x128xbf16>, vector<8x128xf32> -> vector<8x128xf32>
    %slice3A_542 = vector.extract_strided_slice %select_n3A_375 {offsets = [5504, 0], sizes = [128, 128], strides = [1, 1]} : vector<8192x128xbf16> to vector<128x128xbf16>
    %dot_general3A_543 = arith.constant dense<0.000000e+00> : vector<8x128xf32>
    %dot_general3A_544 = tpu.matmul %convert_element_type3A_412, %slice3A_542, %dot_general3A_543 {dimension_numbers = #tpu.dot_dimension_numbers<[1], [0], [0], [1], [0, 0, 1, 1], [], []>, transpose_lhs_hint = false} : vector<8x128xbf16>, vector<128x128xbf16>, vector<8x128xf32> -> vector<8x128xf32>
    %slice3A_545 = vector.extract_strided_slice %select_n3A_375 {offsets = [5632, 0], sizes = [128, 128], strides = [1, 1]} : vector<8192x128xbf16> to vector<128x128xbf16>
    %dot_general3A_546 = arith.constant dense<0.000000e+00> : vector<8x128xf32>
    %dot_general3A_547 = tpu.matmul %convert_element_type3A_412, %slice3A_545, %dot_general3A_546 {dimension_numbers = #tpu.dot_dimension_numbers<[1], [0], [0], [1], [0, 0, 1, 1], [], []>, transpose_lhs_hint = false} : vector<8x128xbf16>, vector<128x128xbf16>, vector<8x128xf32> -> vector<8x128xf32>
    %slice3A_548 = vector.extract_strided_slice %select_n3A_375 {offsets = [5760, 0], sizes = [128, 128], strides = [1, 1]} : vector<8192x128xbf16> to vector<128x128xbf16>
    %dot_general3A_549 = arith.constant dense<0.000000e+00> : vector<8x128xf32>
    %dot_general3A_550 = tpu.matmul %convert_element_type3A_412, %slice3A_548, %dot_general3A_549 {dimension_numbers = #tpu.dot_dimension_numbers<[1], [0], [0], [1], [0, 0, 1, 1], [], []>, transpose_lhs_hint = false} : vector<8x128xbf16>, vector<128x128xbf16>, vector<8x128xf32> -> vector<8x128xf32>
    %slice3A_551 = vector.extract_strided_slice %select_n3A_375 {offsets = [5888, 0], sizes = [128, 128], strides = [1, 1]} : vector<8192x128xbf16> to vector<128x128xbf16>
    %dot_general3A_552 = arith.constant dense<0.000000e+00> : vector<8x128xf32>
    %dot_general3A_553 = tpu.matmul %convert_element_type3A_412, %slice3A_551, %dot_general3A_552 {dimension_numbers = #tpu.dot_dimension_numbers<[1], [0], [0], [1], [0, 0, 1, 1], [], []>, transpose_lhs_hint = false} : vector<8x128xbf16>, vector<128x128xbf16>, vector<8x128xf32> -> vector<8x128xf32>
    %slice3A_554 = vector.extract_strided_slice %select_n3A_375 {offsets = [6016, 0], sizes = [128, 128], strides = [1, 1]} : vector<8192x128xbf16> to vector<128x128xbf16>
    %dot_general3A_555 = arith.constant dense<0.000000e+00> : vector<8x128xf32>
    %dot_general3A_556 = tpu.matmul %convert_element_type3A_412, %slice3A_554, %dot_general3A_555 {dimension_numbers = #tpu.dot_dimension_numbers<[1], [0], [0], [1], [0, 0, 1, 1], [], []>, transpose_lhs_hint = false} : vector<8x128xbf16>, vector<128x128xbf16>, vector<8x128xf32> -> vector<8x128xf32>
    %slice3A_557 = vector.extract_strided_slice %select_n3A_375 {offsets = [6144, 0], sizes = [128, 128], strides = [1, 1]} : vector<8192x128xbf16> to vector<128x128xbf16>
    %dot_general3A_558 = arith.constant dense<0.000000e+00> : vector<8x128xf32>
    %dot_general3A_559 = tpu.matmul %convert_element_type3A_412, %slice3A_557, %dot_general3A_558 {dimension_numbers = #tpu.dot_dimension_numbers<[1], [0], [0], [1], [0, 0, 1, 1], [], []>, transpose_lhs_hint = false} : vector<8x128xbf16>, vector<128x128xbf16>, vector<8x128xf32> -> vector<8x128xf32>
    %slice3A_560 = vector.extract_strided_slice %select_n3A_375 {offsets = [6272, 0], sizes = [128, 128], strides = [1, 1]} : vector<8192x128xbf16> to vector<128x128xbf16>
    %dot_general3A_561 = arith.constant dense<0.000000e+00> : vector<8x128xf32>
    %dot_general3A_562 = tpu.matmul %convert_element_type3A_412, %slice3A_560, %dot_general3A_561 {dimension_numbers = #tpu.dot_dimension_numbers<[1], [0], [0], [1], [0, 0, 1, 1], [], []>, transpose_lhs_hint = false} : vector<8x128xbf16>, vector<128x128xbf16>, vector<8x128xf32> -> vector<8x128xf32>
    %slice3A_563 = vector.extract_strided_slice %select_n3A_375 {offsets = [6400, 0], sizes = [128, 128], strides = [1, 1]} : vector<8192x128xbf16> to vector<128x128xbf16>
    %dot_general3A_564 = arith.constant dense<0.000000e+00> : vector<8x128xf32>
    %dot_general3A_565 = tpu.matmul %convert_element_type3A_412, %slice3A_563, %dot_general3A_564 {dimension_numbers = #tpu.dot_dimension_numbers<[1], [0], [0], [1], [0, 0, 1, 1], [], []>, transpose_lhs_hint = false} : vector<8x128xbf16>, vector<128x128xbf16>, vector<8x128xf32> -> vector<8x128xf32>
    %slice3A_566 = vector.extract_strided_slice %select_n3A_375 {offsets = [6528, 0], sizes = [128, 128], strides = [1, 1]} : vector<8192x128xbf16> to vector<128x128xbf16>
    %dot_general3A_567 = arith.constant dense<0.000000e+00> : vector<8x128xf32>
    %dot_general3A_568 = tpu.matmul %convert_element_type3A_412, %slice3A_566, %dot_general3A_567 {dimension_numbers = #tpu.dot_dimension_numbers<[1], [0], [0], [1], [0, 0, 1, 1], [], []>, transpose_lhs_hint = false} : vector<8x128xbf16>, vector<128x128xbf16>, vector<8x128xf32> -> vector<8x128xf32>
    %slice3A_569 = vector.extract_strided_slice %select_n3A_375 {offsets = [6656, 0], sizes = [128, 128], strides = [1, 1]} : vector<8192x128xbf16> to vector<128x128xbf16>
    %dot_general3A_570 = arith.constant dense<0.000000e+00> : vector<8x128xf32>
    %dot_general3A_571 = tpu.matmul %convert_element_type3A_412, %slice3A_569, %dot_general3A_570 {dimension_numbers = #tpu.dot_dimension_numbers<[1], [0], [0], [1], [0, 0, 1, 1], [], []>, transpose_lhs_hint = false} : vector<8x128xbf16>, vector<128x128xbf16>, vector<8x128xf32> -> vector<8x128xf32>
    %slice3A_572 = vector.extract_strided_slice %select_n3A_375 {offsets = [6784, 0], sizes = [128, 128], strides = [1, 1]} : vector<8192x128xbf16> to vector<128x128xbf16>
    %dot_general3A_573 = arith.constant dense<0.000000e+00> : vector<8x128xf32>
    %dot_general3A_574 = tpu.matmul %convert_element_type3A_412, %slice3A_572, %dot_general3A_573 {dimension_numbers = #tpu.dot_dimension_numbers<[1], [0], [0], [1], [0, 0, 1, 1], [], []>, transpose_lhs_hint = false} : vector<8x128xbf16>, vector<128x128xbf16>, vector<8x128xf32> -> vector<8x128xf32>
    %slice3A_575 = vector.extract_strided_slice %select_n3A_375 {offsets = [6912, 0], sizes = [128, 128], strides = [1, 1]} : vector<8192x128xbf16> to vector<128x128xbf16>
    %dot_general3A_576 = arith.constant dense<0.000000e+00> : vector<8x128xf32>
    %dot_general3A_577 = tpu.matmul %convert_element_type3A_412, %slice3A_575, %dot_general3A_576 {dimension_numbers = #tpu.dot_dimension_numbers<[1], [0], [0], [1], [0, 0, 1, 1], [], []>, transpose_lhs_hint = false} : vector<8x128xbf16>, vector<128x128xbf16>, vector<8x128xf32> -> vector<8x128xf32>
    %slice3A_578 = vector.extract_strided_slice %select_n3A_375 {offsets = [7040, 0], sizes = [128, 128], strides = [1, 1]} : vector<8192x128xbf16> to vector<128x128xbf16>
    %dot_general3A_579 = arith.constant dense<0.000000e+00> : vector<8x128xf32>
    %dot_general3A_580 = tpu.matmul %convert_element_type3A_412, %slice3A_578, %dot_general3A_579 {dimension_numbers = #tpu.dot_dimension_numbers<[1], [0], [0], [1], [0, 0, 1, 1], [], []>, transpose_lhs_hint = false} : vector<8x128xbf16>, vector<128x128xbf16>, vector<8x128xf32> -> vector<8x128xf32>
    %slice3A_581 = vector.extract_strided_slice %select_n3A_375 {offsets = [7168, 0], sizes = [128, 128], strides = [1, 1]} : vector<8192x128xbf16> to vector<128x128xbf16>
    %dot_general3A_582 = arith.constant dense<0.000000e+00> : vector<8x128xf32>
    %dot_general3A_583 = tpu.matmul %convert_element_type3A_412, %slice3A_581, %dot_general3A_582 {dimension_numbers = #tpu.dot_dimension_numbers<[1], [0], [0], [1], [0, 0, 1, 1], [], []>, transpose_lhs_hint = false} : vector<8x128xbf16>, vector<128x128xbf16>, vector<8x128xf32> -> vector<8x128xf32>
    %slice3A_584 = vector.extract_strided_slice %select_n3A_375 {offsets = [7296, 0], sizes = [128, 128], strides = [1, 1]} : vector<8192x128xbf16> to vector<128x128xbf16>
    %dot_general3A_585 = arith.constant dense<0.000000e+00> : vector<8x128xf32>
    %dot_general3A_586 = tpu.matmul %convert_element_type3A_412, %slice3A_584, %dot_general3A_585 {dimension_numbers = #tpu.dot_dimension_numbers<[1], [0], [0], [1], [0, 0, 1, 1], [], []>, transpose_lhs_hint = false} : vector<8x128xbf16>, vector<128x128xbf16>, vector<8x128xf32> -> vector<8x128xf32>
    %slice3A_587 = vector.extract_strided_slice %select_n3A_375 {offsets = [7424, 0], sizes = [128, 128], strides = [1, 1]} : vector<8192x128xbf16> to vector<128x128xbf16>
    %dot_general3A_588 = arith.constant dense<0.000000e+00> : vector<8x128xf32>
    %dot_general3A_589 = tpu.matmul %convert_element_type3A_412, %slice3A_587, %dot_general3A_588 {dimension_numbers = #tpu.dot_dimension_numbers<[1], [0], [0], [1], [0, 0, 1, 1], [], []>, transpose_lhs_hint = false} : vector<8x128xbf16>, vector<128x128xbf16>, vector<8x128xf32> -> vector<8x128xf32>
    %slice3A_590 = vector.extract_strided_slice %select_n3A_375 {offsets = [7552, 0], sizes = [128, 128], strides = [1, 1]} : vector<8192x128xbf16> to vector<128x128xbf16>
    %dot_general3A_591 = arith.constant dense<0.000000e+00> : vector<8x128xf32>
    %dot_general3A_592 = tpu.matmul %convert_element_type3A_412, %slice3A_590, %dot_general3A_591 {dimension_numbers = #tpu.dot_dimension_numbers<[1], [0], [0], [1], [0, 0, 1, 1], [], []>, transpose_lhs_hint = false} : vector<8x128xbf16>, vector<128x128xbf16>, vector<8x128xf32> -> vector<8x128xf32>
    %slice3A_593 = vector.extract_strided_slice %select_n3A_375 {offsets = [7680, 0], sizes = [128, 128], strides = [1, 1]} : vector<8192x128xbf16> to vector<128x128xbf16>
    %dot_general3A_594 = arith.constant dense<0.000000e+00> : vector<8x128xf32>
    %dot_general3A_595 = tpu.matmul %convert_element_type3A_412, %slice3A_593, %dot_general3A_594 {dimension_numbers = #tpu.dot_dimension_numbers<[1], [0], [0], [1], [0, 0, 1, 1], [], []>, transpose_lhs_hint = false} : vector<8x128xbf16>, vector<128x128xbf16>, vector<8x128xf32> -> vector<8x128xf32>
    %slice3A_596 = vector.extract_strided_slice %select_n3A_375 {offsets = [7808, 0], sizes = [128, 128], strides = [1, 1]} : vector<8192x128xbf16> to vector<128x128xbf16>
    %dot_general3A_597 = arith.constant dense<0.000000e+00> : vector<8x128xf32>
    %dot_general3A_598 = tpu.matmul %convert_element_type3A_412, %slice3A_596, %dot_general3A_597 {dimension_numbers = #tpu.dot_dimension_numbers<[1], [0], [0], [1], [0, 0, 1, 1], [], []>, transpose_lhs_hint = false} : vector<8x128xbf16>, vector<128x128xbf16>, vector<8x128xf32> -> vector<8x128xf32>
    %slice3A_599 = vector.extract_strided_slice %select_n3A_375 {offsets = [7936, 0], sizes = [128, 128], strides = [1, 1]} : vector<8192x128xbf16> to vector<128x128xbf16>
    %dot_general3A_600 = arith.constant dense<0.000000e+00> : vector<8x128xf32>
    %dot_general3A_601 = tpu.matmul %convert_element_type3A_412, %slice3A_599, %dot_general3A_600 {dimension_numbers = #tpu.dot_dimension_numbers<[1], [0], [0], [1], [0, 0, 1, 1], [], []>, transpose_lhs_hint = false} : vector<8x128xbf16>, vector<128x128xbf16>, vector<8x128xf32> -> vector<8x128xf32>
    %slice3A_602 = vector.extract_strided_slice %select_n3A_375 {offsets = [8064, 0], sizes = [128, 128], strides = [1, 1]} : vector<8192x128xbf16> to vector<128x128xbf16>
    %dot_general3A_603 = arith.constant dense<0.000000e+00> : vector<8x128xf32>
    %dot_general3A_604 = tpu.matmul %convert_element_type3A_412, %slice3A_602, %dot_general3A_603 {dimension_numbers = #tpu.dot_dimension_numbers<[1], [0], [0], [1], [0, 0, 1, 1], [], []>, transpose_lhs_hint = false} : vector<8x128xbf16>, vector<128x128xbf16>, vector<8x128xf32> -> vector<8x128xf32>
    %concatenate3A_605 = tpu.concatenate %dot_general3A_415, %dot_general3A_418, %dot_general3A_421, %dot_general3A_424, %dot_general3A_427, %dot_general3A_430, %dot_general3A_433, %dot_general3A_436, %dot_general3A_439, %dot_general3A_442, %dot_general3A_445, %dot_general3A_448, %dot_general3A_451, %dot_general3A_454, %dot_general3A_457, %dot_general3A_460, %dot_general3A_463, %dot_general3A_466, %dot_general3A_469, %dot_general3A_472, %dot_general3A_475, %dot_general3A_478, %dot_general3A_481, %dot_general3A_484, %dot_general3A_487, %dot_general3A_490, %dot_general3A_493, %dot_general3A_496, %dot_general3A_499, %dot_general3A_502, %dot_general3A_505, %dot_general3A_508, %dot_general3A_511, %dot_general3A_514, %dot_general3A_517, %dot_general3A_520, %dot_general3A_523, %dot_general3A_526, %dot_general3A_529, %dot_general3A_532, %dot_general3A_535, %dot_general3A_538, %dot_general3A_541, %dot_general3A_544, %dot_general3A_547, %dot_general3A_550, %dot_general3A_553, %dot_general3A_556, %dot_general3A_559, %dot_general3A_562, %dot_general3A_565, %dot_general3A_568, %dot_general3A_571, %dot_general3A_574, %dot_general3A_577, %dot_general3A_580, %dot_general3A_583, %dot_general3A_586, %dot_general3A_589, %dot_general3A_592, %dot_general3A_595, %dot_general3A_598, %dot_general3A_601, %dot_general3A_604 in 0 : vector<8x128xf32>, vector<8x128xf32>, vector<8x128xf32>, vector<8x128xf32>, vector<8x128xf32>, vector<8x128xf32>, vector<8x128xf32>, vector<8x128xf32>, vector<8x128xf32>, vector<8x128xf32>, vector<8x128xf32>, vector<8x128xf32>, vector<8x128xf32>, vector<8x128xf32>, vector<8x128xf32>, vector<8x128xf32>, vector<8x128xf32>, vector<8x128xf32>, vector<8x128xf32>, vector<8x128xf32>, vector<8x128xf32>, vector<8x128xf32>, vector<8x128xf32>, vector<8x128xf32>, vector<8x128xf32>, vector<8x128xf32>, vector<8x128xf32>, vector<8x128xf32>, vector<8x128xf32>, vector<8x128xf32>, vector<8x128xf32>, vector<8x128xf32>, vector<8x128xf32>, vector<8x128xf32>, vector<8x128xf32>, vector<8x128xf32>, vector<8x128xf32>, vector<8x128xf32>, vector<8x128xf32>, vector<8x128xf32>, vector<8x128xf32>, vector<8x128xf32>, vector<8x128xf32>, vector<8x128xf32>, vector<8x128xf32>, vector<8x128xf32>, vector<8x128xf32>, vector<8x128xf32>, vector<8x128xf32>, vector<8x128xf32>, vector<8x128xf32>, vector<8x128xf32>, vector<8x128xf32>, vector<8x128xf32>, vector<8x128xf32>, vector<8x128xf32>, vector<8x128xf32>, vector<8x128xf32>, vector<8x128xf32>, vector<8x128xf32>, vector<8x128xf32>, vector<8x128xf32>, vector<8x128xf32>, vector<8x128xf32> -> vector<512x128xf32>
    %slice3A_606 = vector.extract_strided_slice %select_n3A_375 {offsets = [0, 0], sizes = [128, 128], strides = [1, 1]} : vector<8192x128xbf16> to vector<128x128xbf16>
    %slice3A_607 = vector.extract_strided_slice %select_n3A_375 {offsets = [0, 0], sizes = [128, 128], strides = [1, 1]} : vector<8192x128xbf16> to vector<128x128xbf16>
    %mul3A_608 = arith.mulf %slice3A_606, %slice3A_607 : vector<128x128xbf16>
    %dot_general3A_609 = arith.constant dense<0.000000e+00> : vector<8x128xf32>
    %dot_general3A_610 = tpu.matmul %convert_element_type3A_412, %mul3A_608, %dot_general3A_609 {dimension_numbers = #tpu.dot_dimension_numbers<[1], [0], [0], [1], [0, 0, 1, 1], [], []>, transpose_lhs_hint = false} : vector<8x128xbf16>, vector<128x128xbf16>, vector<8x128xf32> -> vector<8x128xf32>
    %slice3A_611 = vector.extract_strided_slice %select_n3A_375 {offsets = [128, 0], sizes = [128, 128], strides = [1, 1]} : vector<8192x128xbf16> to vector<128x128xbf16>
    %slice3A_612 = vector.extract_strided_slice %select_n3A_375 {offsets = [128, 0], sizes = [128, 128], strides = [1, 1]} : vector<8192x128xbf16> to vector<128x128xbf16>
    %mul3A_613 = arith.mulf %slice3A_611, %slice3A_612 : vector<128x128xbf16>
    %dot_general3A_614 = arith.constant dense<0.000000e+00> : vector<8x128xf32>
    %dot_general3A_615 = tpu.matmul %convert_element_type3A_412, %mul3A_613, %dot_general3A_614 {dimension_numbers = #tpu.dot_dimension_numbers<[1], [0], [0], [1], [0, 0, 1, 1], [], []>, transpose_lhs_hint = false} : vector<8x128xbf16>, vector<128x128xbf16>, vector<8x128xf32> -> vector<8x128xf32>
    %slice3A_616 = vector.extract_strided_slice %select_n3A_375 {offsets = [256, 0], sizes = [128, 128], strides = [1, 1]} : vector<8192x128xbf16> to vector<128x128xbf16>
    %slice3A_617 = vector.extract_strided_slice %select_n3A_375 {offsets = [256, 0], sizes = [128, 128], strides = [1, 1]} : vector<8192x128xbf16> to vector<128x128xbf16>
    %mul3A_618 = arith.mulf %slice3A_616, %slice3A_617 : vector<128x128xbf16>
    %dot_general3A_619 = arith.constant dense<0.000000e+00> : vector<8x128xf32>
    %dot_general3A_620 = tpu.matmul %convert_element_type3A_412, %mul3A_618, %dot_general3A_619 {dimension_numbers = #tpu.dot_dimension_numbers<[1], [0], [0], [1], [0, 0, 1, 1], [], []>, transpose_lhs_hint = false} : vector<8x128xbf16>, vector<128x128xbf16>, vector<8x128xf32> -> vector<8x128xf32>
    %slice3A_621 = vector.extract_strided_slice %select_n3A_375 {offsets = [384, 0], sizes = [128, 128], strides = [1, 1]} : vector<8192x128xbf16> to vector<128x128xbf16>
    %slice3A_622 = vector.extract_strided_slice %select_n3A_375 {offsets = [384, 0], sizes = [128, 128], strides = [1, 1]} : vector<8192x128xbf16> to vector<128x128xbf16>
    %mul3A_623 = arith.mulf %slice3A_621, %slice3A_622 : vector<128x128xbf16>
    %dot_general3A_624 = arith.constant dense<0.000000e+00> : vector<8x128xf32>
    %dot_general3A_625 = tpu.matmul %convert_element_type3A_412, %mul3A_623, %dot_general3A_624 {dimension_numbers = #tpu.dot_dimension_numbers<[1], [0], [0], [1], [0, 0, 1, 1], [], []>, transpose_lhs_hint = false} : vector<8x128xbf16>, vector<128x128xbf16>, vector<8x128xf32> -> vector<8x128xf32>
    %slice3A_626 = vector.extract_strided_slice %select_n3A_375 {offsets = [512, 0], sizes = [128, 128], strides = [1, 1]} : vector<8192x128xbf16> to vector<128x128xbf16>
    %slice3A_627 = vector.extract_strided_slice %select_n3A_375 {offsets = [512, 0], sizes = [128, 128], strides = [1, 1]} : vector<8192x128xbf16> to vector<128x128xbf16>
    %mul3A_628 = arith.mulf %slice3A_626, %slice3A_627 : vector<128x128xbf16>
    %dot_general3A_629 = arith.constant dense<0.000000e+00> : vector<8x128xf32>
    %dot_general3A_630 = tpu.matmul %convert_element_type3A_412, %mul3A_628, %dot_general3A_629 {dimension_numbers = #tpu.dot_dimension_numbers<[1], [0], [0], [1], [0, 0, 1, 1], [], []>, transpose_lhs_hint = false} : vector<8x128xbf16>, vector<128x128xbf16>, vector<8x128xf32> -> vector<8x128xf32>
    %slice3A_631 = vector.extract_strided_slice %select_n3A_375 {offsets = [640, 0], sizes = [128, 128], strides = [1, 1]} : vector<8192x128xbf16> to vector<128x128xbf16>
    %slice3A_632 = vector.extract_strided_slice %select_n3A_375 {offsets = [640, 0], sizes = [128, 128], strides = [1, 1]} : vector<8192x128xbf16> to vector<128x128xbf16>
    %mul3A_633 = arith.mulf %slice3A_631, %slice3A_632 : vector<128x128xbf16>
    %dot_general3A_634 = arith.constant dense<0.000000e+00> : vector<8x128xf32>
    %dot_general3A_635 = tpu.matmul %convert_element_type3A_412, %mul3A_633, %dot_general3A_634 {dimension_numbers = #tpu.dot_dimension_numbers<[1], [0], [0], [1], [0, 0, 1, 1], [], []>, transpose_lhs_hint = false} : vector<8x128xbf16>, vector<128x128xbf16>, vector<8x128xf32> -> vector<8x128xf32>
    %slice3A_636 = vector.extract_strided_slice %select_n3A_375 {offsets = [768, 0], sizes = [128, 128], strides = [1, 1]} : vector<8192x128xbf16> to vector<128x128xbf16>
    %slice3A_637 = vector.extract_strided_slice %select_n3A_375 {offsets = [768, 0], sizes = [128, 128], strides = [1, 1]} : vector<8192x128xbf16> to vector<128x128xbf16>
    %mul3A_638 = arith.mulf %slice3A_636, %slice3A_637 : vector<128x128xbf16>
    %dot_general3A_639 = arith.constant dense<0.000000e+00> : vector<8x128xf32>
    %dot_general3A_640 = tpu.matmul %convert_element_type3A_412, %mul3A_638, %dot_general3A_639 {dimension_numbers = #tpu.dot_dimension_numbers<[1], [0], [0], [1], [0, 0, 1, 1], [], []>, transpose_lhs_hint = false} : vector<8x128xbf16>, vector<128x128xbf16>, vector<8x128xf32> -> vector<8x128xf32>
    %slice3A_641 = vector.extract_strided_slice %select_n3A_375 {offsets = [896, 0], sizes = [128, 128], strides = [1, 1]} : vector<8192x128xbf16> to vector<128x128xbf16>
    %slice3A_642 = vector.extract_strided_slice %select_n3A_375 {offsets = [896, 0], sizes = [128, 128], strides = [1, 1]} : vector<8192x128xbf16> to vector<128x128xbf16>
    %mul3A_643 = arith.mulf %slice3A_641, %slice3A_642 : vector<128x128xbf16>
    %dot_general3A_644 = arith.constant dense<0.000000e+00> : vector<8x128xf32>
    %dot_general3A_645 = tpu.matmul %convert_element_type3A_412, %mul3A_643, %dot_general3A_644 {dimension_numbers = #tpu.dot_dimension_numbers<[1], [0], [0], [1], [0, 0, 1, 1], [], []>, transpose_lhs_hint = false} : vector<8x128xbf16>, vector<128x128xbf16>, vector<8x128xf32> -> vector<8x128xf32>
    %slice3A_646 = vector.extract_strided_slice %select_n3A_375 {offsets = [1024, 0], sizes = [128, 128], strides = [1, 1]} : vector<8192x128xbf16> to vector<128x128xbf16>
    %slice3A_647 = vector.extract_strided_slice %select_n3A_375 {offsets = [1024, 0], sizes = [128, 128], strides = [1, 1]} : vector<8192x128xbf16> to vector<128x128xbf16>
    %mul3A_648 = arith.mulf %slice3A_646, %slice3A_647 : vector<128x128xbf16>
    %dot_general3A_649 = arith.constant dense<0.000000e+00> : vector<8x128xf32>
    %dot_general3A_650 = tpu.matmul %convert_element_type3A_412, %mul3A_648, %dot_general3A_649 {dimension_numbers = #tpu.dot_dimension_numbers<[1], [0], [0], [1], [0, 0, 1, 1], [], []>, transpose_lhs_hint = false} : vector<8x128xbf16>, vector<128x128xbf16>, vector<8x128xf32> -> vector<8x128xf32>
    %slice3A_651 = vector.extract_strided_slice %select_n3A_375 {offsets = [1152, 0], sizes = [128, 128], strides = [1, 1]} : vector<8192x128xbf16> to vector<128x128xbf16>
    %slice3A_652 = vector.extract_strided_slice %select_n3A_375 {offsets = [1152, 0], sizes = [128, 128], strides = [1, 1]} : vector<8192x128xbf16> to vector<128x128xbf16>
    %mul3A_653 = arith.mulf %slice3A_651, %slice3A_652 : vector<128x128xbf16>
    %dot_general3A_654 = arith.constant dense<0.000000e+00> : vector<8x128xf32>
    %dot_general3A_655 = tpu.matmul %convert_element_type3A_412, %mul3A_653, %dot_general3A_654 {dimension_numbers = #tpu.dot_dimension_numbers<[1], [0], [0], [1], [0, 0, 1, 1], [], []>, transpose_lhs_hint = false} : vector<8x128xbf16>, vector<128x128xbf16>, vector<8x128xf32> -> vector<8x128xf32>
    %slice3A_656 = vector.extract_strided_slice %select_n3A_375 {offsets = [1280, 0], sizes = [128, 128], strides = [1, 1]} : vector<8192x128xbf16> to vector<128x128xbf16>
    %slice3A_657 = vector.extract_strided_slice %select_n3A_375 {offsets = [1280, 0], sizes = [128, 128], strides = [1, 1]} : vector<8192x128xbf16> to vector<128x128xbf16>
    %mul3A_658 = arith.mulf %slice3A_656, %slice3A_657 : vector<128x128xbf16>
    %dot_general3A_659 = arith.constant dense<0.000000e+00> : vector<8x128xf32>
    %dot_general3A_660 = tpu.matmul %convert_element_type3A_412, %mul3A_658, %dot_general3A_659 {dimension_numbers = #tpu.dot_dimension_numbers<[1], [0], [0], [1], [0, 0, 1, 1], [], []>, transpose_lhs_hint = false} : vector<8x128xbf16>, vector<128x128xbf16>, vector<8x128xf32> -> vector<8x128xf32>
    %slice3A_661 = vector.extract_strided_slice %select_n3A_375 {offsets = [1408, 0], sizes = [128, 128], strides = [1, 1]} : vector<8192x128xbf16> to vector<128x128xbf16>
    %slice3A_662 = vector.extract_strided_slice %select_n3A_375 {offsets = [1408, 0], sizes = [128, 128], strides = [1, 1]} : vector<8192x128xbf16> to vector<128x128xbf16>
    %mul3A_663 = arith.mulf %slice3A_661, %slice3A_662 : vector<128x128xbf16>
    %dot_general3A_664 = arith.constant dense<0.000000e+00> : vector<8x128xf32>
    %dot_general3A_665 = tpu.matmul %convert_element_type3A_412, %mul3A_663, %dot_general3A_664 {dimension_numbers = #tpu.dot_dimension_numbers<[1], [0], [0], [1], [0, 0, 1, 1], [], []>, transpose_lhs_hint = false} : vector<8x128xbf16>, vector<128x128xbf16>, vector<8x128xf32> -> vector<8x128xf32>
    %slice3A_666 = vector.extract_strided_slice %select_n3A_375 {offsets = [1536, 0], sizes = [128, 128], strides = [1, 1]} : vector<8192x128xbf16> to vector<128x128xbf16>
    %slice3A_667 = vector.extract_strided_slice %select_n3A_375 {offsets = [1536, 0], sizes = [128, 128], strides = [1, 1]} : vector<8192x128xbf16> to vector<128x128xbf16>
    %mul3A_668 = arith.mulf %slice3A_666, %slice3A_667 : vector<128x128xbf16>
    %dot_general3A_669 = arith.constant dense<0.000000e+00> : vector<8x128xf32>
    %dot_general3A_670 = tpu.matmul %convert_element_type3A_412, %mul3A_668, %dot_general3A_669 {dimension_numbers = #tpu.dot_dimension_numbers<[1], [0], [0], [1], [0, 0, 1, 1], [], []>, transpose_lhs_hint = false} : vector<8x128xbf16>, vector<128x128xbf16>, vector<8x128xf32> -> vector<8x128xf32>
    %slice3A_671 = vector.extract_strided_slice %select_n3A_375 {offsets = [1664, 0], sizes = [128, 128], strides = [1, 1]} : vector<8192x128xbf16> to vector<128x128xbf16>
    %slice3A_672 = vector.extract_strided_slice %select_n3A_375 {offsets = [1664, 0], sizes = [128, 128], strides = [1, 1]} : vector<8192x128xbf16> to vector<128x128xbf16>
    %mul3A_673 = arith.mulf %slice3A_671, %slice3A_672 : vector<128x128xbf16>
    %dot_general3A_674 = arith.constant dense<0.000000e+00> : vector<8x128xf32>
    %dot_general3A_675 = tpu.matmul %convert_element_type3A_412, %mul3A_673, %dot_general3A_674 {dimension_numbers = #tpu.dot_dimension_numbers<[1], [0], [0], [1], [0, 0, 1, 1], [], []>, transpose_lhs_hint = false} : vector<8x128xbf16>, vector<128x128xbf16>, vector<8x128xf32> -> vector<8x128xf32>
    %slice3A_676 = vector.extract_strided_slice %select_n3A_375 {offsets = [1792, 0], sizes = [128, 128], strides = [1, 1]} : vector<8192x128xbf16> to vector<128x128xbf16>
    %slice3A_677 = vector.extract_strided_slice %select_n3A_375 {offsets = [1792, 0], sizes = [128, 128], strides = [1, 1]} : vector<8192x128xbf16> to vector<128x128xbf16>
    %mul3A_678 = arith.mulf %slice3A_676, %slice3A_677 : vector<128x128xbf16>
    %dot_general3A_679 = arith.constant dense<0.000000e+00> : vector<8x128xf32>
    %dot_general3A_680 = tpu.matmul %convert_element_type3A_412, %mul3A_678, %dot_general3A_679 {dimension_numbers = #tpu.dot_dimension_numbers<[1], [0], [0], [1], [0, 0, 1, 1], [], []>, transpose_lhs_hint = false} : vector<8x128xbf16>, vector<128x128xbf16>, vector<8x128xf32> -> vector<8x128xf32>
    %slice3A_681 = vector.extract_strided_slice %select_n3A_375 {offsets = [1920, 0], sizes = [128, 128], strides = [1, 1]} : vector<8192x128xbf16> to vector<128x128xbf16>
    %slice3A_682 = vector.extract_strided_slice %select_n3A_375 {offsets = [1920, 0], sizes = [128, 128], strides = [1, 1]} : vector<8192x128xbf16> to vector<128x128xbf16>
    %mul3A_683 = arith.mulf %slice3A_681, %slice3A_682 : vector<128x128xbf16>
    %dot_general3A_684 = arith.constant dense<0.000000e+00> : vector<8x128xf32>
    %dot_general3A_685 = tpu.matmul %convert_element_type3A_412, %mul3A_683, %dot_general3A_684 {dimension_numbers = #tpu.dot_dimension_numbers<[1], [0], [0], [1], [0, 0, 1, 1], [], []>, transpose_lhs_hint = false} : vector<8x128xbf16>, vector<128x128xbf16>, vector<8x128xf32> -> vector<8x128xf32>
    %slice3A_686 = vector.extract_strided_slice %select_n3A_375 {offsets = [2048, 0], sizes = [128, 128], strides = [1, 1]} : vector<8192x128xbf16> to vector<128x128xbf16>
    %slice3A_687 = vector.extract_strided_slice %select_n3A_375 {offsets = [2048, 0], sizes = [128, 128], strides = [1, 1]} : vector<8192x128xbf16> to vector<128x128xbf16>
    %mul3A_688 = arith.mulf %slice3A_686, %slice3A_687 : vector<128x128xbf16>
    %dot_general3A_689 = arith.constant dense<0.000000e+00> : vector<8x128xf32>
    %dot_general3A_690 = tpu.matmul %convert_element_type3A_412, %mul3A_688, %dot_general3A_689 {dimension_numbers = #tpu.dot_dimension_numbers<[1], [0], [0], [1], [0, 0, 1, 1], [], []>, transpose_lhs_hint = false} : vector<8x128xbf16>, vector<128x128xbf16>, vector<8x128xf32> -> vector<8x128xf32>
    %slice3A_691 = vector.extract_strided_slice %select_n3A_375 {offsets = [2176, 0], sizes = [128, 128], strides = [1, 1]} : vector<8192x128xbf16> to vector<128x128xbf16>
    %slice3A_692 = vector.extract_strided_slice %select_n3A_375 {offsets = [2176, 0], sizes = [128, 128], strides = [1, 1]} : vector<8192x128xbf16> to vector<128x128xbf16>
    %mul3A_693 = arith.mulf %slice3A_691, %slice3A_692 : vector<128x128xbf16>
    %dot_general3A_694 = arith.constant dense<0.000000e+00> : vector<8x128xf32>
    %dot_general3A_695 = tpu.matmul %convert_element_type3A_412, %mul3A_693, %dot_general3A_694 {dimension_numbers = #tpu.dot_dimension_numbers<[1], [0], [0], [1], [0, 0, 1, 1], [], []>, transpose_lhs_hint = false} : vector<8x128xbf16>, vector<128x128xbf16>, vector<8x128xf32> -> vector<8x128xf32>
    %slice3A_696 = vector.extract_strided_slice %select_n3A_375 {offsets = [2304, 0], sizes = [128, 128], strides = [1, 1]} : vector<8192x128xbf16> to vector<128x128xbf16>
    %slice3A_697 = vector.extract_strided_slice %select_n3A_375 {offsets = [2304, 0], sizes = [128, 128], strides = [1, 1]} : vector<8192x128xbf16> to vector<128x128xbf16>
    %mul3A_698 = arith.mulf %slice3A_696, %slice3A_697 : vector<128x128xbf16>
    %dot_general3A_699 = arith.constant dense<0.000000e+00> : vector<8x128xf32>
    %dot_general3A_700 = tpu.matmul %convert_element_type3A_412, %mul3A_698, %dot_general3A_699 {dimension_numbers = #tpu.dot_dimension_numbers<[1], [0], [0], [1], [0, 0, 1, 1], [], []>, transpose_lhs_hint = false} : vector<8x128xbf16>, vector<128x128xbf16>, vector<8x128xf32> -> vector<8x128xf32>
    %slice3A_701 = vector.extract_strided_slice %select_n3A_375 {offsets = [2432, 0], sizes = [128, 128], strides = [1, 1]} : vector<8192x128xbf16> to vector<128x128xbf16>
    %slice3A_702 = vector.extract_strided_slice %select_n3A_375 {offsets = [2432, 0], sizes = [128, 128], strides = [1, 1]} : vector<8192x128xbf16> to vector<128x128xbf16>
    %mul3A_703 = arith.mulf %slice3A_701, %slice3A_702 : vector<128x128xbf16>
    %dot_general3A_704 = arith.constant dense<0.000000e+00> : vector<8x128xf32>
    %dot_general3A_705 = tpu.matmul %convert_element_type3A_412, %mul3A_703, %dot_general3A_704 {dimension_numbers = #tpu.dot_dimension_numbers<[1], [0], [0], [1], [0, 0, 1, 1], [], []>, transpose_lhs_hint = false} : vector<8x128xbf16>, vector<128x128xbf16>, vector<8x128xf32> -> vector<8x128xf32>
    %slice3A_706 = vector.extract_strided_slice %select_n3A_375 {offsets = [2560, 0], sizes = [128, 128], strides = [1, 1]} : vector<8192x128xbf16> to vector<128x128xbf16>
    %slice3A_707 = vector.extract_strided_slice %select_n3A_375 {offsets = [2560, 0], sizes = [128, 128], strides = [1, 1]} : vector<8192x128xbf16> to vector<128x128xbf16>
    %mul3A_708 = arith.mulf %slice3A_706, %slice3A_707 : vector<128x128xbf16>
    %dot_general3A_709 = arith.constant dense<0.000000e+00> : vector<8x128xf32>
    %dot_general3A_710 = tpu.matmul %convert_element_type3A_412, %mul3A_708, %dot_general3A_709 {dimension_numbers = #tpu.dot_dimension_numbers<[1], [0], [0], [1], [0, 0, 1, 1], [], []>, transpose_lhs_hint = false} : vector<8x128xbf16>, vector<128x128xbf16>, vector<8x128xf32> -> vector<8x128xf32>
    %slice3A_711 = vector.extract_strided_slice %select_n3A_375 {offsets = [2688, 0], sizes = [128, 128], strides = [1, 1]} : vector<8192x128xbf16> to vector<128x128xbf16>
    %slice3A_712 = vector.extract_strided_slice %select_n3A_375 {offsets = [2688, 0], sizes = [128, 128], strides = [1, 1]} : vector<8192x128xbf16> to vector<128x128xbf16>
    %mul3A_713 = arith.mulf %slice3A_711, %slice3A_712 : vector<128x128xbf16>
    %dot_general3A_714 = arith.constant dense<0.000000e+00> : vector<8x128xf32>
    %dot_general3A_715 = tpu.matmul %convert_element_type3A_412, %mul3A_713, %dot_general3A_714 {dimension_numbers = #tpu.dot_dimension_numbers<[1], [0], [0], [1], [0, 0, 1, 1], [], []>, transpose_lhs_hint = false} : vector<8x128xbf16>, vector<128x128xbf16>, vector<8x128xf32> -> vector<8x128xf32>
    %slice3A_716 = vector.extract_strided_slice %select_n3A_375 {offsets = [2816, 0], sizes = [128, 128], strides = [1, 1]} : vector<8192x128xbf16> to vector<128x128xbf16>
    %slice3A_717 = vector.extract_strided_slice %select_n3A_375 {offsets = [2816, 0], sizes = [128, 128], strides = [1, 1]} : vector<8192x128xbf16> to vector<128x128xbf16>
    %mul3A_718 = arith.mulf %slice3A_716, %slice3A_717 : vector<128x128xbf16>
    %dot_general3A_719 = arith.constant dense<0.000000e+00> : vector<8x128xf32>
    %dot_general3A_720 = tpu.matmul %convert_element_type3A_412, %mul3A_718, %dot_general3A_719 {dimension_numbers = #tpu.dot_dimension_numbers<[1], [0], [0], [1], [0, 0, 1, 1], [], []>, transpose_lhs_hint = false} : vector<8x128xbf16>, vector<128x128xbf16>, vector<8x128xf32> -> vector<8x128xf32>
    %slice3A_721 = vector.extract_strided_slice %select_n3A_375 {offsets = [2944, 0], sizes = [128, 128], strides = [1, 1]} : vector<8192x128xbf16> to vector<128x128xbf16>
    %slice3A_722 = vector.extract_strided_slice %select_n3A_375 {offsets = [2944, 0], sizes = [128, 128], strides = [1, 1]} : vector<8192x128xbf16> to vector<128x128xbf16>
    %mul3A_723 = arith.mulf %slice3A_721, %slice3A_722 : vector<128x128xbf16>
    %dot_general3A_724 = arith.constant dense<0.000000e+00> : vector<8x128xf32>
    %dot_general3A_725 = tpu.matmul %convert_element_type3A_412, %mul3A_723, %dot_general3A_724 {dimension_numbers = #tpu.dot_dimension_numbers<[1], [0], [0], [1], [0, 0, 1, 1], [], []>, transpose_lhs_hint = false} : vector<8x128xbf16>, vector<128x128xbf16>, vector<8x128xf32> -> vector<8x128xf32>
    %slice3A_726 = vector.extract_strided_slice %select_n3A_375 {offsets = [3072, 0], sizes = [128, 128], strides = [1, 1]} : vector<8192x128xbf16> to vector<128x128xbf16>
    %slice3A_727 = vector.extract_strided_slice %select_n3A_375 {offsets = [3072, 0], sizes = [128, 128], strides = [1, 1]} : vector<8192x128xbf16> to vector<128x128xbf16>
    %mul3A_728 = arith.mulf %slice3A_726, %slice3A_727 : vector<128x128xbf16>
    %dot_general3A_729 = arith.constant dense<0.000000e+00> : vector<8x128xf32>
    %dot_general3A_730 = tpu.matmul %convert_element_type3A_412, %mul3A_728, %dot_general3A_729 {dimension_numbers = #tpu.dot_dimension_numbers<[1], [0], [0], [1], [0, 0, 1, 1], [], []>, transpose_lhs_hint = false} : vector<8x128xbf16>, vector<128x128xbf16>, vector<8x128xf32> -> vector<8x128xf32>
    %slice3A_731 = vector.extract_strided_slice %select_n3A_375 {offsets = [3200, 0], sizes = [128, 128], strides = [1, 1]} : vector<8192x128xbf16> to vector<128x128xbf16>
    %slice3A_732 = vector.extract_strided_slice %select_n3A_375 {offsets = [3200, 0], sizes = [128, 128], strides = [1, 1]} : vector<8192x128xbf16> to vector<128x128xbf16>
    %mul3A_733 = arith.mulf %slice3A_731, %slice3A_732 : vector<128x128xbf16>
    %dot_general3A_734 = arith.constant dense<0.000000e+00> : vector<8x128xf32>
    %dot_general3A_735 = tpu.matmul %convert_element_type3A_412, %mul3A_733, %dot_general3A_734 {dimension_numbers = #tpu.dot_dimension_numbers<[1], [0], [0], [1], [0, 0, 1, 1], [], []>, transpose_lhs_hint = false} : vector<8x128xbf16>, vector<128x128xbf16>, vector<8x128xf32> -> vector<8x128xf32>
    %slice3A_736 = vector.extract_strided_slice %select_n3A_375 {offsets = [3328, 0], sizes = [128, 128], strides = [1, 1]} : vector<8192x128xbf16> to vector<128x128xbf16>
    %slice3A_737 = vector.extract_strided_slice %select_n3A_375 {offsets = [3328, 0], sizes = [128, 128], strides = [1, 1]} : vector<8192x128xbf16> to vector<128x128xbf16>
    %mul3A_738 = arith.mulf %slice3A_736, %slice3A_737 : vector<128x128xbf16>
    %dot_general3A_739 = arith.constant dense<0.000000e+00> : vector<8x128xf32>
    %dot_general3A_740 = tpu.matmul %convert_element_type3A_412, %mul3A_738, %dot_general3A_739 {dimension_numbers = #tpu.dot_dimension_numbers<[1], [0], [0], [1], [0, 0, 1, 1], [], []>, transpose_lhs_hint = false} : vector<8x128xbf16>, vector<128x128xbf16>, vector<8x128xf32> -> vector<8x128xf32>
    %slice3A_741 = vector.extract_strided_slice %select_n3A_375 {offsets = [3456, 0], sizes = [128, 128], strides = [1, 1]} : vector<8192x128xbf16> to vector<128x128xbf16>
    %slice3A_742 = vector.extract_strided_slice %select_n3A_375 {offsets = [3456, 0], sizes = [128, 128], strides = [1, 1]} : vector<8192x128xbf16> to vector<128x128xbf16>
    %mul3A_743 = arith.mulf %slice3A_741, %slice3A_742 : vector<128x128xbf16>
    %dot_general3A_744 = arith.constant dense<0.000000e+00> : vector<8x128xf32>
    %dot_general3A_745 = tpu.matmul %convert_element_type3A_412, %mul3A_743, %dot_general3A_744 {dimension_numbers = #tpu.dot_dimension_numbers<[1], [0], [0], [1], [0, 0, 1, 1], [], []>, transpose_lhs_hint = false} : vector<8x128xbf16>, vector<128x128xbf16>, vector<8x128xf32> -> vector<8x128xf32>
    %slice3A_746 = vector.extract_strided_slice %select_n3A_375 {offsets = [3584, 0], sizes = [128, 128], strides = [1, 1]} : vector<8192x128xbf16> to vector<128x128xbf16>
    %slice3A_747 = vector.extract_strided_slice %select_n3A_375 {offsets = [3584, 0], sizes = [128, 128], strides = [1, 1]} : vector<8192x128xbf16> to vector<128x128xbf16>
    %mul3A_748 = arith.mulf %slice3A_746, %slice3A_747 : vector<128x128xbf16>
    %dot_general3A_749 = arith.constant dense<0.000000e+00> : vector<8x128xf32>
    %dot_general3A_750 = tpu.matmul %convert_element_type3A_412, %mul3A_748, %dot_general3A_749 {dimension_numbers = #tpu.dot_dimension_numbers<[1], [0], [0], [1], [0, 0, 1, 1], [], []>, transpose_lhs_hint = false} : vector<8x128xbf16>, vector<128x128xbf16>, vector<8x128xf32> -> vector<8x128xf32>
    %slice3A_751 = vector.extract_strided_slice %select_n3A_375 {offsets = [3712, 0], sizes = [128, 128], strides = [1, 1]} : vector<8192x128xbf16> to vector<128x128xbf16>
    %slice3A_752 = vector.extract_strided_slice %select_n3A_375 {offsets = [3712, 0], sizes = [128, 128], strides = [1, 1]} : vector<8192x128xbf16> to vector<128x128xbf16>
    %mul3A_753 = arith.mulf %slice3A_751, %slice3A_752 : vector<128x128xbf16>
    %dot_general3A_754 = arith.constant dense<0.000000e+00> : vector<8x128xf32>
    %dot_general3A_755 = tpu.matmul %convert_element_type3A_412, %mul3A_753, %dot_general3A_754 {dimension_numbers = #tpu.dot_dimension_numbers<[1], [0], [0], [1], [0, 0, 1, 1], [], []>, transpose_lhs_hint = false} : vector<8x128xbf16>, vector<128x128xbf16>, vector<8x128xf32> -> vector<8x128xf32>
    %slice3A_756 = vector.extract_strided_slice %select_n3A_375 {offsets = [3840, 0], sizes = [128, 128], strides = [1, 1]} : vector<8192x128xbf16> to vector<128x128xbf16>
    %slice3A_757 = vector.extract_strided_slice %select_n3A_375 {offsets = [3840, 0], sizes = [128, 128], strides = [1, 1]} : vector<8192x128xbf16> to vector<128x128xbf16>
    %mul3A_758 = arith.mulf %slice3A_756, %slice3A_757 : vector<128x128xbf16>
    %dot_general3A_759 = arith.constant dense<0.000000e+00> : vector<8x128xf32>
    %dot_general3A_760 = tpu.matmul %convert_element_type3A_412, %mul3A_758, %dot_general3A_759 {dimension_numbers = #tpu.dot_dimension_numbers<[1], [0], [0], [1], [0, 0, 1, 1], [], []>, transpose_lhs_hint = false} : vector<8x128xbf16>, vector<128x128xbf16>, vector<8x128xf32> -> vector<8x128xf32>
    %slice3A_761 = vector.extract_strided_slice %select_n3A_375 {offsets = [3968, 0], sizes = [128, 128], strides = [1, 1]} : vector<8192x128xbf16> to vector<128x128xbf16>
    %slice3A_762 = vector.extract_strided_slice %select_n3A_375 {offsets = [3968, 0], sizes = [128, 128], strides = [1, 1]} : vector<8192x128xbf16> to vector<128x128xbf16>
    %mul3A_763 = arith.mulf %slice3A_761, %slice3A_762 : vector<128x128xbf16>
    %dot_general3A_764 = arith.constant dense<0.000000e+00> : vector<8x128xf32>
    %dot_general3A_765 = tpu.matmul %convert_element_type3A_412, %mul3A_763, %dot_general3A_764 {dimension_numbers = #tpu.dot_dimension_numbers<[1], [0], [0], [1], [0, 0, 1, 1], [], []>, transpose_lhs_hint = false} : vector<8x128xbf16>, vector<128x128xbf16>, vector<8x128xf32> -> vector<8x128xf32>
    %slice3A_766 = vector.extract_strided_slice %select_n3A_375 {offsets = [4096, 0], sizes = [128, 128], strides = [1, 1]} : vector<8192x128xbf16> to vector<128x128xbf16>
    %slice3A_767 = vector.extract_strided_slice %select_n3A_375 {offsets = [4096, 0], sizes = [128, 128], strides = [1, 1]} : vector<8192x128xbf16> to vector<128x128xbf16>
    %mul3A_768 = arith.mulf %slice3A_766, %slice3A_767 : vector<128x128xbf16>
    %dot_general3A_769 = arith.constant dense<0.000000e+00> : vector<8x128xf32>
    %dot_general3A_770 = tpu.matmul %convert_element_type3A_412, %mul3A_768, %dot_general3A_769 {dimension_numbers = #tpu.dot_dimension_numbers<[1], [0], [0], [1], [0, 0, 1, 1], [], []>, transpose_lhs_hint = false} : vector<8x128xbf16>, vector<128x128xbf16>, vector<8x128xf32> -> vector<8x128xf32>
    %slice3A_771 = vector.extract_strided_slice %select_n3A_375 {offsets = [4224, 0], sizes = [128, 128], strides = [1, 1]} : vector<8192x128xbf16> to vector<128x128xbf16>
    %slice3A_772 = vector.extract_strided_slice %select_n3A_375 {offsets = [4224, 0], sizes = [128, 128], strides = [1, 1]} : vector<8192x128xbf16> to vector<128x128xbf16>
    %mul3A_773 = arith.mulf %slice3A_771, %slice3A_772 : vector<128x128xbf16>
    %dot_general3A_774 = arith.constant dense<0.000000e+00> : vector<8x128xf32>
    %dot_general3A_775 = tpu.matmul %convert_element_type3A_412, %mul3A_773, %dot_general3A_774 {dimension_numbers = #tpu.dot_dimension_numbers<[1], [0], [0], [1], [0, 0, 1, 1], [], []>, transpose_lhs_hint = false} : vector<8x128xbf16>, vector<128x128xbf16>, vector<8x128xf32> -> vector<8x128xf32>
    %slice3A_776 = vector.extract_strided_slice %select_n3A_375 {offsets = [4352, 0], sizes = [128, 128], strides = [1, 1]} : vector<8192x128xbf16> to vector<128x128xbf16>
    %slice3A_777 = vector.extract_strided_slice %select_n3A_375 {offsets = [4352, 0], sizes = [128, 128], strides = [1, 1]} : vector<8192x128xbf16> to vector<128x128xbf16>
    %mul3A_778 = arith.mulf %slice3A_776, %slice3A_777 : vector<128x128xbf16>
    %dot_general3A_779 = arith.constant dense<0.000000e+00> : vector<8x128xf32>
    %dot_general3A_780 = tpu.matmul %convert_element_type3A_412, %mul3A_778, %dot_general3A_779 {dimension_numbers = #tpu.dot_dimension_numbers<[1], [0], [0], [1], [0, 0, 1, 1], [], []>, transpose_lhs_hint = false} : vector<8x128xbf16>, vector<128x128xbf16>, vector<8x128xf32> -> vector<8x128xf32>
    %slice3A_781 = vector.extract_strided_slice %select_n3A_375 {offsets = [4480, 0], sizes = [128, 128], strides = [1, 1]} : vector<8192x128xbf16> to vector<128x128xbf16>
    %slice3A_782 = vector.extract_strided_slice %select_n3A_375 {offsets = [4480, 0], sizes = [128, 128], strides = [1, 1]} : vector<8192x128xbf16> to vector<128x128xbf16>
    %mul3A_783 = arith.mulf %slice3A_781, %slice3A_782 : vector<128x128xbf16>
    %dot_general3A_784 = arith.constant dense<0.000000e+00> : vector<8x128xf32>
    %dot_general3A_785 = tpu.matmul %convert_element_type3A_412, %mul3A_783, %dot_general3A_784 {dimension_numbers = #tpu.dot_dimension_numbers<[1], [0], [0], [1], [0, 0, 1, 1], [], []>, transpose_lhs_hint = false} : vector<8x128xbf16>, vector<128x128xbf16>, vector<8x128xf32> -> vector<8x128xf32>
    %slice3A_786 = vector.extract_strided_slice %select_n3A_375 {offsets = [4608, 0], sizes = [128, 128], strides = [1, 1]} : vector<8192x128xbf16> to vector<128x128xbf16>
    %slice3A_787 = vector.extract_strided_slice %select_n3A_375 {offsets = [4608, 0], sizes = [128, 128], strides = [1, 1]} : vector<8192x128xbf16> to vector<128x128xbf16>
    %mul3A_788 = arith.mulf %slice3A_786, %slice3A_787 : vector<128x128xbf16>
    %dot_general3A_789 = arith.constant dense<0.000000e+00> : vector<8x128xf32>
    %dot_general3A_790 = tpu.matmul %convert_element_type3A_412, %mul3A_788, %dot_general3A_789 {dimension_numbers = #tpu.dot_dimension_numbers<[1], [0], [0], [1], [0, 0, 1, 1], [], []>, transpose_lhs_hint = false} : vector<8x128xbf16>, vector<128x128xbf16>, vector<8x128xf32> -> vector<8x128xf32>
    %slice3A_791 = vector.extract_strided_slice %select_n3A_375 {offsets = [4736, 0], sizes = [128, 128], strides = [1, 1]} : vector<8192x128xbf16> to vector<128x128xbf16>
    %slice3A_792 = vector.extract_strided_slice %select_n3A_375 {offsets = [4736, 0], sizes = [128, 128], strides = [1, 1]} : vector<8192x128xbf16> to vector<128x128xbf16>
    %mul3A_793 = arith.mulf %slice3A_791, %slice3A_792 : vector<128x128xbf16>
    %dot_general3A_794 = arith.constant dense<0.000000e+00> : vector<8x128xf32>
    %dot_general3A_795 = tpu.matmul %convert_element_type3A_412, %mul3A_793, %dot_general3A_794 {dimension_numbers = #tpu.dot_dimension_numbers<[1], [0], [0], [1], [0, 0, 1, 1], [], []>, transpose_lhs_hint = false} : vector<8x128xbf16>, vector<128x128xbf16>, vector<8x128xf32> -> vector<8x128xf32>
    %slice3A_796 = vector.extract_strided_slice %select_n3A_375 {offsets = [4864, 0], sizes = [128, 128], strides = [1, 1]} : vector<8192x128xbf16> to vector<128x128xbf16>
    %slice3A_797 = vector.extract_strided_slice %select_n3A_375 {offsets = [4864, 0], sizes = [128, 128], strides = [1, 1]} : vector<8192x128xbf16> to vector<128x128xbf16>
    %mul3A_798 = arith.mulf %slice3A_796, %slice3A_797 : vector<128x128xbf16>
    %dot_general3A_799 = arith.constant dense<0.000000e+00> : vector<8x128xf32>
    %dot_general3A_800 = tpu.matmul %convert_element_type3A_412, %mul3A_798, %dot_general3A_799 {dimension_numbers = #tpu.dot_dimension_numbers<[1], [0], [0], [1], [0, 0, 1, 1], [], []>, transpose_lhs_hint = false} : vector<8x128xbf16>, vector<128x128xbf16>, vector<8x128xf32> -> vector<8x128xf32>
    %slice3A_801 = vector.extract_strided_slice %select_n3A_375 {offsets = [4992, 0], sizes = [128, 128], strides = [1, 1]} : vector<8192x128xbf16> to vector<128x128xbf16>
    %slice3A_802 = vector.extract_strided_slice %select_n3A_375 {offsets = [4992, 0], sizes = [128, 128], strides = [1, 1]} : vector<8192x128xbf16> to vector<128x128xbf16>
    %mul3A_803 = arith.mulf %slice3A_801, %slice3A_802 : vector<128x128xbf16>
    %dot_general3A_804 = arith.constant dense<0.000000e+00> : vector<8x128xf32>
    %dot_general3A_805 = tpu.matmul %convert_element_type3A_412, %mul3A_803, %dot_general3A_804 {dimension_numbers = #tpu.dot_dimension_numbers<[1], [0], [0], [1], [0, 0, 1, 1], [], []>, transpose_lhs_hint = false} : vector<8x128xbf16>, vector<128x128xbf16>, vector<8x128xf32> -> vector<8x128xf32>
    %slice3A_806 = vector.extract_strided_slice %select_n3A_375 {offsets = [5120, 0], sizes = [128, 128], strides = [1, 1]} : vector<8192x128xbf16> to vector<128x128xbf16>
    %slice3A_807 = vector.extract_strided_slice %select_n3A_375 {offsets = [5120, 0], sizes = [128, 128], strides = [1, 1]} : vector<8192x128xbf16> to vector<128x128xbf16>
    %mul3A_808 = arith.mulf %slice3A_806, %slice3A_807 : vector<128x128xbf16>
    %dot_general3A_809 = arith.constant dense<0.000000e+00> : vector<8x128xf32>
    %dot_general3A_810 = tpu.matmul %convert_element_type3A_412, %mul3A_808, %dot_general3A_809 {dimension_numbers = #tpu.dot_dimension_numbers<[1], [0], [0], [1], [0, 0, 1, 1], [], []>, transpose_lhs_hint = false} : vector<8x128xbf16>, vector<128x128xbf16>, vector<8x128xf32> -> vector<8x128xf32>
    %slice3A_811 = vector.extract_strided_slice %select_n3A_375 {offsets = [5248, 0], sizes = [128, 128], strides = [1, 1]} : vector<8192x128xbf16> to vector<128x128xbf16>
    %slice3A_812 = vector.extract_strided_slice %select_n3A_375 {offsets = [5248, 0], sizes = [128, 128], strides = [1, 1]} : vector<8192x128xbf16> to vector<128x128xbf16>
    %mul3A_813 = arith.mulf %slice3A_811, %slice3A_812 : vector<128x128xbf16>
    %dot_general3A_814 = arith.constant dense<0.000000e+00> : vector<8x128xf32>
    %dot_general3A_815 = tpu.matmul %convert_element_type3A_412, %mul3A_813, %dot_general3A_814 {dimension_numbers = #tpu.dot_dimension_numbers<[1], [0], [0], [1], [0, 0, 1, 1], [], []>, transpose_lhs_hint = false} : vector<8x128xbf16>, vector<128x128xbf16>, vector<8x128xf32> -> vector<8x128xf32>
    %slice3A_816 = vector.extract_strided_slice %select_n3A_375 {offsets = [5376, 0], sizes = [128, 128], strides = [1, 1]} : vector<8192x128xbf16> to vector<128x128xbf16>
    %slice3A_817 = vector.extract_strided_slice %select_n3A_375 {offsets = [5376, 0], sizes = [128, 128], strides = [1, 1]} : vector<8192x128xbf16> to vector<128x128xbf16>
    %mul3A_818 = arith.mulf %slice3A_816, %slice3A_817 : vector<128x128xbf16>
    %dot_general3A_819 = arith.constant dense<0.000000e+00> : vector<8x128xf32>
    %dot_general3A_820 = tpu.matmul %convert_element_type3A_412, %mul3A_818, %dot_general3A_819 {dimension_numbers = #tpu.dot_dimension_numbers<[1], [0], [0], [1], [0, 0, 1, 1], [], []>, transpose_lhs_hint = false} : vector<8x128xbf16>, vector<128x128xbf16>, vector<8x128xf32> -> vector<8x128xf32>
    %slice3A_821 = vector.extract_strided_slice %select_n3A_375 {offsets = [5504, 0], sizes = [128, 128], strides = [1, 1]} : vector<8192x128xbf16> to vector<128x128xbf16>
    %slice3A_822 = vector.extract_strided_slice %select_n3A_375 {offsets = [5504, 0], sizes = [128, 128], strides = [1, 1]} : vector<8192x128xbf16> to vector<128x128xbf16>
    %mul3A_823 = arith.mulf %slice3A_821, %slice3A_822 : vector<128x128xbf16>
    %dot_general3A_824 = arith.constant dense<0.000000e+00> : vector<8x128xf32>
    %dot_general3A_825 = tpu.matmul %convert_element_type3A_412, %mul3A_823, %dot_general3A_824 {dimension_numbers = #tpu.dot_dimension_numbers<[1], [0], [0], [1], [0, 0, 1, 1], [], []>, transpose_lhs_hint = false} : vector<8x128xbf16>, vector<128x128xbf16>, vector<8x128xf32> -> vector<8x128xf32>
    %slice3A_826 = vector.extract_strided_slice %select_n3A_375 {offsets = [5632, 0], sizes = [128, 128], strides = [1, 1]} : vector<8192x128xbf16> to vector<128x128xbf16>
    %slice3A_827 = vector.extract_strided_slice %select_n3A_375 {offsets = [5632, 0], sizes = [128, 128], strides = [1, 1]} : vector<8192x128xbf16> to vector<128x128xbf16>
    %mul3A_828 = arith.mulf %slice3A_826, %slice3A_827 : vector<128x128xbf16>
    %dot_general3A_829 = arith.constant dense<0.000000e+00> : vector<8x128xf32>
    %dot_general3A_830 = tpu.matmul %convert_element_type3A_412, %mul3A_828, %dot_general3A_829 {dimension_numbers = #tpu.dot_dimension_numbers<[1], [0], [0], [1], [0, 0, 1, 1], [], []>, transpose_lhs_hint = false} : vector<8x128xbf16>, vector<128x128xbf16>, vector<8x128xf32> -> vector<8x128xf32>
    %slice3A_831 = vector.extract_strided_slice %select_n3A_375 {offsets = [5760, 0], sizes = [128, 128], strides = [1, 1]} : vector<8192x128xbf16> to vector<128x128xbf16>
    %slice3A_832 = vector.extract_strided_slice %select_n3A_375 {offsets = [5760, 0], sizes = [128, 128], strides = [1, 1]} : vector<8192x128xbf16> to vector<128x128xbf16>
    %mul3A_833 = arith.mulf %slice3A_831, %slice3A_832 : vector<128x128xbf16>
    %dot_general3A_834 = arith.constant dense<0.000000e+00> : vector<8x128xf32>
    %dot_general3A_835 = tpu.matmul %convert_element_type3A_412, %mul3A_833, %dot_general3A_834 {dimension_numbers = #tpu.dot_dimension_numbers<[1], [0], [0], [1], [0, 0, 1, 1], [], []>, transpose_lhs_hint = false} : vector<8x128xbf16>, vector<128x128xbf16>, vector<8x128xf32> -> vector<8x128xf32>
    %slice3A_836 = vector.extract_strided_slice %select_n3A_375 {offsets = [5888, 0], sizes = [128, 128], strides = [1, 1]} : vector<8192x128xbf16> to vector<128x128xbf16>
    %slice3A_837 = vector.extract_strided_slice %select_n3A_375 {offsets = [5888, 0], sizes = [128, 128], strides = [1, 1]} : vector<8192x128xbf16> to vector<128x128xbf16>
    %mul3A_838 = arith.mulf %slice3A_836, %slice3A_837 : vector<128x128xbf16>
    %dot_general3A_839 = arith.constant dense<0.000000e+00> : vector<8x128xf32>
    %dot_general3A_840 = tpu.matmul %convert_element_type3A_412, %mul3A_838, %dot_general3A_839 {dimension_numbers = #tpu.dot_dimension_numbers<[1], [0], [0], [1], [0, 0, 1, 1], [], []>, transpose_lhs_hint = false} : vector<8x128xbf16>, vector<128x128xbf16>, vector<8x128xf32> -> vector<8x128xf32>
    %slice3A_841 = vector.extract_strided_slice %select_n3A_375 {offsets = [6016, 0], sizes = [128, 128], strides = [1, 1]} : vector<8192x128xbf16> to vector<128x128xbf16>
    %slice3A_842 = vector.extract_strided_slice %select_n3A_375 {offsets = [6016, 0], sizes = [128, 128], strides = [1, 1]} : vector<8192x128xbf16> to vector<128x128xbf16>
    %mul3A_843 = arith.mulf %slice3A_841, %slice3A_842 : vector<128x128xbf16>
    %dot_general3A_844 = arith.constant dense<0.000000e+00> : vector<8x128xf32>
    %dot_general3A_845 = tpu.matmul %convert_element_type3A_412, %mul3A_843, %dot_general3A_844 {dimension_numbers = #tpu.dot_dimension_numbers<[1], [0], [0], [1], [0, 0, 1, 1], [], []>, transpose_lhs_hint = false} : vector<8x128xbf16>, vector<128x128xbf16>, vector<8x128xf32> -> vector<8x128xf32>
    %slice3A_846 = vector.extract_strided_slice %select_n3A_375 {offsets = [6144, 0], sizes = [128, 128], strides = [1, 1]} : vector<8192x128xbf16> to vector<128x128xbf16>
    %slice3A_847 = vector.extract_strided_slice %select_n3A_375 {offsets = [6144, 0], sizes = [128, 128], strides = [1, 1]} : vector<8192x128xbf16> to vector<128x128xbf16>
    %mul3A_848 = arith.mulf %slice3A_846, %slice3A_847 : vector<128x128xbf16>
    %dot_general3A_849 = arith.constant dense<0.000000e+00> : vector<8x128xf32>
    %dot_general3A_850 = tpu.matmul %convert_element_type3A_412, %mul3A_848, %dot_general3A_849 {dimension_numbers = #tpu.dot_dimension_numbers<[1], [0], [0], [1], [0, 0, 1, 1], [], []>, transpose_lhs_hint = false} : vector<8x128xbf16>, vector<128x128xbf16>, vector<8x128xf32> -> vector<8x128xf32>
    %slice3A_851 = vector.extract_strided_slice %select_n3A_375 {offsets = [6272, 0], sizes = [128, 128], strides = [1, 1]} : vector<8192x128xbf16> to vector<128x128xbf16>
    %slice3A_852 = vector.extract_strided_slice %select_n3A_375 {offsets = [6272, 0], sizes = [128, 128], strides = [1, 1]} : vector<8192x128xbf16> to vector<128x128xbf16>
    %mul3A_853 = arith.mulf %slice3A_851, %slice3A_852 : vector<128x128xbf16>
    %dot_general3A_854 = arith.constant dense<0.000000e+00> : vector<8x128xf32>
    %dot_general3A_855 = tpu.matmul %convert_element_type3A_412, %mul3A_853, %dot_general3A_854 {dimension_numbers = #tpu.dot_dimension_numbers<[1], [0], [0], [1], [0, 0, 1, 1], [], []>, transpose_lhs_hint = false} : vector<8x128xbf16>, vector<128x128xbf16>, vector<8x128xf32> -> vector<8x128xf32>
    %slice3A_856 = vector.extract_strided_slice %select_n3A_375 {offsets = [6400, 0], sizes = [128, 128], strides = [1, 1]} : vector<8192x128xbf16> to vector<128x128xbf16>
    %slice3A_857 = vector.extract_strided_slice %select_n3A_375 {offsets = [6400, 0], sizes = [128, 128], strides = [1, 1]} : vector<8192x128xbf16> to vector<128x128xbf16>
    %mul3A_858 = arith.mulf %slice3A_856, %slice3A_857 : vector<128x128xbf16>
    %dot_general3A_859 = arith.constant dense<0.000000e+00> : vector<8x128xf32>
    %dot_general3A_860 = tpu.matmul %convert_element_type3A_412, %mul3A_858, %dot_general3A_859 {dimension_numbers = #tpu.dot_dimension_numbers<[1], [0], [0], [1], [0, 0, 1, 1], [], []>, transpose_lhs_hint = false} : vector<8x128xbf16>, vector<128x128xbf16>, vector<8x128xf32> -> vector<8x128xf32>
    %slice3A_861 = vector.extract_strided_slice %select_n3A_375 {offsets = [6528, 0], sizes = [128, 128], strides = [1, 1]} : vector<8192x128xbf16> to vector<128x128xbf16>
    %slice3A_862 = vector.extract_strided_slice %select_n3A_375 {offsets = [6528, 0], sizes = [128, 128], strides = [1, 1]} : vector<8192x128xbf16> to vector<128x128xbf16>
    %mul3A_863 = arith.mulf %slice3A_861, %slice3A_862 : vector<128x128xbf16>
    %dot_general3A_864 = arith.constant dense<0.000000e+00> : vector<8x128xf32>
    %dot_general3A_865 = tpu.matmul %convert_element_type3A_412, %mul3A_863, %dot_general3A_864 {dimension_numbers = #tpu.dot_dimension_numbers<[1], [0], [0], [1], [0, 0, 1, 1], [], []>, transpose_lhs_hint = false} : vector<8x128xbf16>, vector<128x128xbf16>, vector<8x128xf32> -> vector<8x128xf32>
    %slice3A_866 = vector.extract_strided_slice %select_n3A_375 {offsets = [6656, 0], sizes = [128, 128], strides = [1, 1]} : vector<8192x128xbf16> to vector<128x128xbf16>
    %slice3A_867 = vector.extract_strided_slice %select_n3A_375 {offsets = [6656, 0], sizes = [128, 128], strides = [1, 1]} : vector<8192x128xbf16> to vector<128x128xbf16>
    %mul3A_868 = arith.mulf %slice3A_866, %slice3A_867 : vector<128x128xbf16>
    %dot_general3A_869 = arith.constant dense<0.000000e+00> : vector<8x128xf32>
    %dot_general3A_870 = tpu.matmul %convert_element_type3A_412, %mul3A_868, %dot_general3A_869 {dimension_numbers = #tpu.dot_dimension_numbers<[1], [0], [0], [1], [0, 0, 1, 1], [], []>, transpose_lhs_hint = false} : vector<8x128xbf16>, vector<128x128xbf16>, vector<8x128xf32> -> vector<8x128xf32>
    %slice3A_871 = vector.extract_strided_slice %select_n3A_375 {offsets = [6784, 0], sizes = [128, 128], strides = [1, 1]} : vector<8192x128xbf16> to vector<128x128xbf16>
    %slice3A_872 = vector.extract_strided_slice %select_n3A_375 {offsets = [6784, 0], sizes = [128, 128], strides = [1, 1]} : vector<8192x128xbf16> to vector<128x128xbf16>
    %mul3A_873 = arith.mulf %slice3A_871, %slice3A_872 : vector<128x128xbf16>
    %dot_general3A_874 = arith.constant dense<0.000000e+00> : vector<8x128xf32>
    %dot_general3A_875 = tpu.matmul %convert_element_type3A_412, %mul3A_873, %dot_general3A_874 {dimension_numbers = #tpu.dot_dimension_numbers<[1], [0], [0], [1], [0, 0, 1, 1], [], []>, transpose_lhs_hint = false} : vector<8x128xbf16>, vector<128x128xbf16>, vector<8x128xf32> -> vector<8x128xf32>
    %slice3A_876 = vector.extract_strided_slice %select_n3A_375 {offsets = [6912, 0], sizes = [128, 128], strides = [1, 1]} : vector<8192x128xbf16> to vector<128x128xbf16>
    %slice3A_877 = vector.extract_strided_slice %select_n3A_375 {offsets = [6912, 0], sizes = [128, 128], strides = [1, 1]} : vector<8192x128xbf16> to vector<128x128xbf16>
    %mul3A_878 = arith.mulf %slice3A_876, %slice3A_877 : vector<128x128xbf16>
    %dot_general3A_879 = arith.constant dense<0.000000e+00> : vector<8x128xf32>
    %dot_general3A_880 = tpu.matmul %convert_element_type3A_412, %mul3A_878, %dot_general3A_879 {dimension_numbers = #tpu.dot_dimension_numbers<[1], [0], [0], [1], [0, 0, 1, 1], [], []>, transpose_lhs_hint = false} : vector<8x128xbf16>, vector<128x128xbf16>, vector<8x128xf32> -> vector<8x128xf32>
    %slice3A_881 = vector.extract_strided_slice %select_n3A_375 {offsets = [7040, 0], sizes = [128, 128], strides = [1, 1]} : vector<8192x128xbf16> to vector<128x128xbf16>
    %slice3A_882 = vector.extract_strided_slice %select_n3A_375 {offsets = [7040, 0], sizes = [128, 128], strides = [1, 1]} : vector<8192x128xbf16> to vector<128x128xbf16>
    %mul3A_883 = arith.mulf %slice3A_881, %slice3A_882 : vector<128x128xbf16>
    %dot_general3A_884 = arith.constant dense<0.000000e+00> : vector<8x128xf32>
    %dot_general3A_885 = tpu.matmul %convert_element_type3A_412, %mul3A_883, %dot_general3A_884 {dimension_numbers = #tpu.dot_dimension_numbers<[1], [0], [0], [1], [0, 0, 1, 1], [], []>, transpose_lhs_hint = false} : vector<8x128xbf16>, vector<128x128xbf16>, vector<8x128xf32> -> vector<8x128xf32>
    %slice3A_886 = vector.extract_strided_slice %select_n3A_375 {offsets = [7168, 0], sizes = [128, 128], strides = [1, 1]} : vector<8192x128xbf16> to vector<128x128xbf16>
    %slice3A_887 = vector.extract_strided_slice %select_n3A_375 {offsets = [7168, 0], sizes = [128, 128], strides = [1, 1]} : vector<8192x128xbf16> to vector<128x128xbf16>
    %mul3A_888 = arith.mulf %slice3A_886, %slice3A_887 : vector<128x128xbf16>
    %dot_general3A_889 = arith.constant dense<0.000000e+00> : vector<8x128xf32>
    %dot_general3A_890 = tpu.matmul %convert_element_type3A_412, %mul3A_888, %dot_general3A_889 {dimension_numbers = #tpu.dot_dimension_numbers<[1], [0], [0], [1], [0, 0, 1, 1], [], []>, transpose_lhs_hint = false} : vector<8x128xbf16>, vector<128x128xbf16>, vector<8x128xf32> -> vector<8x128xf32>
    %slice3A_891 = vector.extract_strided_slice %select_n3A_375 {offsets = [7296, 0], sizes = [128, 128], strides = [1, 1]} : vector<8192x128xbf16> to vector<128x128xbf16>
    %slice3A_892 = vector.extract_strided_slice %select_n3A_375 {offsets = [7296, 0], sizes = [128, 128], strides = [1, 1]} : vector<8192x128xbf16> to vector<128x128xbf16>
    %mul3A_893 = arith.mulf %slice3A_891, %slice3A_892 : vector<128x128xbf16>
    %dot_general3A_894 = arith.constant dense<0.000000e+00> : vector<8x128xf32>
    %dot_general3A_895 = tpu.matmul %convert_element_type3A_412, %mul3A_893, %dot_general3A_894 {dimension_numbers = #tpu.dot_dimension_numbers<[1], [0], [0], [1], [0, 0, 1, 1], [], []>, transpose_lhs_hint = false} : vector<8x128xbf16>, vector<128x128xbf16>, vector<8x128xf32> -> vector<8x128xf32>
    %slice3A_896 = vector.extract_strided_slice %select_n3A_375 {offsets = [7424, 0], sizes = [128, 128], strides = [1, 1]} : vector<8192x128xbf16> to vector<128x128xbf16>
    %slice3A_897 = vector.extract_strided_slice %select_n3A_375 {offsets = [7424, 0], sizes = [128, 128], strides = [1, 1]} : vector<8192x128xbf16> to vector<128x128xbf16>
    %mul3A_898 = arith.mulf %slice3A_896, %slice3A_897 : vector<128x128xbf16>
    %dot_general3A_899 = arith.constant dense<0.000000e+00> : vector<8x128xf32>
    %dot_general3A_900 = tpu.matmul %convert_element_type3A_412, %mul3A_898, %dot_general3A_899 {dimension_numbers = #tpu.dot_dimension_numbers<[1], [0], [0], [1], [0, 0, 1, 1], [], []>, transpose_lhs_hint = false} : vector<8x128xbf16>, vector<128x128xbf16>, vector<8x128xf32> -> vector<8x128xf32>
    %slice3A_901 = vector.extract_strided_slice %select_n3A_375 {offsets = [7552, 0], sizes = [128, 128], strides = [1, 1]} : vector<8192x128xbf16> to vector<128x128xbf16>
    %slice3A_902 = vector.extract_strided_slice %select_n3A_375 {offsets = [7552, 0], sizes = [128, 128], strides = [1, 1]} : vector<8192x128xbf16> to vector<128x128xbf16>
    %mul3A_903 = arith.mulf %slice3A_901, %slice3A_902 : vector<128x128xbf16>
    %dot_general3A_904 = arith.constant dense<0.000000e+00> : vector<8x128xf32>
    %dot_general3A_905 = tpu.matmul %convert_element_type3A_412, %mul3A_903, %dot_general3A_904 {dimension_numbers = #tpu.dot_dimension_numbers<[1], [0], [0], [1], [0, 0, 1, 1], [], []>, transpose_lhs_hint = false} : vector<8x128xbf16>, vector<128x128xbf16>, vector<8x128xf32> -> vector<8x128xf32>
    %slice3A_906 = vector.extract_strided_slice %select_n3A_375 {offsets = [7680, 0], sizes = [128, 128], strides = [1, 1]} : vector<8192x128xbf16> to vector<128x128xbf16>
    %slice3A_907 = vector.extract_strided_slice %select_n3A_375 {offsets = [7680, 0], sizes = [128, 128], strides = [1, 1]} : vector<8192x128xbf16> to vector<128x128xbf16>
    %mul3A_908 = arith.mulf %slice3A_906, %slice3A_907 : vector<128x128xbf16>
    %dot_general3A_909 = arith.constant dense<0.000000e+00> : vector<8x128xf32>
    %dot_general3A_910 = tpu.matmul %convert_element_type3A_412, %mul3A_908, %dot_general3A_909 {dimension_numbers = #tpu.dot_dimension_numbers<[1], [0], [0], [1], [0, 0, 1, 1], [], []>, transpose_lhs_hint = false} : vector<8x128xbf16>, vector<128x128xbf16>, vector<8x128xf32> -> vector<8x128xf32>
    %slice3A_911 = vector.extract_strided_slice %select_n3A_375 {offsets = [7808, 0], sizes = [128, 128], strides = [1, 1]} : vector<8192x128xbf16> to vector<128x128xbf16>
    %slice3A_912 = vector.extract_strided_slice %select_n3A_375 {offsets = [7808, 0], sizes = [128, 128], strides = [1, 1]} : vector<8192x128xbf16> to vector<128x128xbf16>
    %mul3A_913 = arith.mulf %slice3A_911, %slice3A_912 : vector<128x128xbf16>
    %dot_general3A_914 = arith.constant dense<0.000000e+00> : vector<8x128xf32>
    %dot_general3A_915 = tpu.matmul %convert_element_type3A_412, %mul3A_913, %dot_general3A_914 {dimension_numbers = #tpu.dot_dimension_numbers<[1], [0], [0], [1], [0, 0, 1, 1], [], []>, transpose_lhs_hint = false} : vector<8x128xbf16>, vector<128x128xbf16>, vector<8x128xf32> -> vector<8x128xf32>
    %slice3A_916 = vector.extract_strided_slice %select_n3A_375 {offsets = [7936, 0], sizes = [128, 128], strides = [1, 1]} : vector<8192x128xbf16> to vector<128x128xbf16>
    %slice3A_917 = vector.extract_strided_slice %select_n3A_375 {offsets = [7936, 0], sizes = [128, 128], strides = [1, 1]} : vector<8192x128xbf16> to vector<128x128xbf16>
    %mul3A_918 = arith.mulf %slice3A_916, %slice3A_917 : vector<128x128xbf16>
    %dot_general3A_919 = arith.constant dense<0.000000e+00> : vector<8x128xf32>
    %dot_general3A_920 = tpu.matmul %convert_element_type3A_412, %mul3A_918, %dot_general3A_919 {dimension_numbers = #tpu.dot_dimension_numbers<[1], [0], [0], [1], [0, 0, 1, 1], [], []>, transpose_lhs_hint = false} : vector<8x128xbf16>, vector<128x128xbf16>, vector<8x128xf32> -> vector<8x128xf32>
    %slice3A_921 = vector.extract_strided_slice %select_n3A_375 {offsets = [8064, 0], sizes = [128, 128], strides = [1, 1]} : vector<8192x128xbf16> to vector<128x128xbf16>
    %slice3A_922 = vector.extract_strided_slice %select_n3A_375 {offsets = [8064, 0], sizes = [128, 128], strides = [1, 1]} : vector<8192x128xbf16> to vector<128x128xbf16>
    %mul3A_923 = arith.mulf %slice3A_921, %slice3A_922 : vector<128x128xbf16>
    %dot_general3A_924 = arith.constant dense<0.000000e+00> : vector<8x128xf32>
    %dot_general3A_925 = tpu.matmul %convert_element_type3A_412, %mul3A_923, %dot_general3A_924 {dimension_numbers = #tpu.dot_dimension_numbers<[1], [0], [0], [1], [0, 0, 1, 1], [], []>, transpose_lhs_hint = false} : vector<8x128xbf16>, vector<128x128xbf16>, vector<8x128xf32> -> vector<8x128xf32>
    %concatenate3A_926 = tpu.concatenate %dot_general3A_610, %dot_general3A_615, %dot_general3A_620, %dot_general3A_625, %dot_general3A_630, %dot_general3A_635, %dot_general3A_640, %dot_general3A_645, %dot_general3A_650, %dot_general3A_655, %dot_general3A_660, %dot_general3A_665, %dot_general3A_670, %dot_general3A_675, %dot_general3A_680, %dot_general3A_685, %dot_general3A_690, %dot_general3A_695, %dot_general3A_700, %dot_general3A_705, %dot_general3A_710, %dot_general3A_715, %dot_general3A_720, %dot_general3A_725, %dot_general3A_730, %dot_general3A_735, %dot_general3A_740, %dot_general3A_745, %dot_general3A_750, %dot_general3A_755, %dot_general3A_760, %dot_general3A_765, %dot_general3A_770, %dot_general3A_775, %dot_general3A_780, %dot_general3A_785, %dot_general3A_790, %dot_general3A_795, %dot_general3A_800, %dot_general3A_805, %dot_general3A_810, %dot_general3A_815, %dot_general3A_820, %dot_general3A_825, %dot_general3A_830, %dot_general3A_835, %dot_general3A_840, %dot_general3A_845, %dot_general3A_850, %dot_general3A_855, %dot_general3A_860, %dot_general3A_865, %dot_general3A_870, %dot_general3A_875, %dot_general3A_880, %dot_general3A_885, %dot_general3A_890, %dot_general3A_895, %dot_general3A_900, %dot_general3A_905, %dot_general3A_910, %dot_general3A_915, %dot_general3A_920, %dot_general3A_925 in 0 : vector<8x128xf32>, vector<8x128xf32>, vector<8x128xf32>, vector<8x128xf32>, vector<8x128xf32>, vector<8x128xf32>, vector<8x128xf32>, vector<8x128xf32>, vector<8x128xf32>, vector<8x128xf32>, vector<8x128xf32>, vector<8x128xf32>, vector<8x128xf32>, vector<8x128xf32>, vector<8x128xf32>, vector<8x128xf32>, vector<8x128xf32>, vector<8x128xf32>, vector<8x128xf32>, vector<8x128xf32>, vector<8x128xf32>, vector<8x128xf32>, vector<8x128xf32>, vector<8x128xf32>, vector<8x128xf32>, vector<8x128xf32>, vector<8x128xf32>, vector<8x128xf32>, vector<8x128xf32>, vector<8x128xf32>, vector<8x128xf32>, vector<8x128xf32>, vector<8x128xf32>, vector<8x128xf32>, vector<8x128xf32>, vector<8x128xf32>, vector<8x128xf32>, vector<8x128xf32>, vector<8x128xf32>, vector<8x128xf32>, vector<8x128xf32>, vector<8x128xf32>, vector<8x128xf32>, vector<8x128xf32>, vector<8x128xf32>, vector<8x128xf32>, vector<8x128xf32>, vector<8x128xf32>, vector<8x128xf32>, vector<8x128xf32>, vector<8x128xf32>, vector<8x128xf32>, vector<8x128xf32>, vector<8x128xf32>, vector<8x128xf32>, vector<8x128xf32>, vector<8x128xf32>, vector<8x128xf32>, vector<8x128xf32>, vector<8x128xf32>, vector<8x128xf32>, vector<8x128xf32>, vector<8x128xf32>, vector<8x128xf32> -> vector<512x128xf32>
    %broadcast_in_dim3A_927 = arith.constant 1.000000e+00 : bf16
    %broadcast_in_dim3A_928 = vector.broadcast %broadcast_in_dim3A_927 : bf16 to vector<128x128xbf16>
    %convert_element_type3A_929 = arith.truncf %concatenate3A_605 : vector<512x128xf32> to vector<512x128xbf16>
    %dot_general3A_930 = arith.constant dense<0.000000e+00> : vector<512x128xf32>
    %dot_general3A_931 = tpu.matmul %convert_element_type3A_929, %broadcast_in_dim3A_928, %dot_general3A_930 {dimension_numbers = #tpu.dot_dimension_numbers<[1], [0], [0], [1], [0, 0, 1, 1], [], []>, transpose_lhs_hint = false} : vector<512x128xbf16>, vector<128x128xbf16>, vector<512x128xf32> -> vector<512x128xf32>
    %mul3A_932 = arith.constant 4.8828125E-4 : f32
    %mul3A_933 = vector.broadcast %mul3A_932 : f32 to vector<512x128xf32>
    %mul3A_934 = arith.mulf %dot_general3A_931, %mul3A_933 : vector<512x128xf32>
    %convert_element_type3A_935 = arith.truncf %concatenate3A_926 : vector<512x128xf32> to vector<512x128xbf16>
    %dot_general3A_936 = arith.constant dense<0.000000e+00> : vector<512x128xf32>
    %dot_general3A_937 = tpu.matmul %convert_element_type3A_935, %broadcast_in_dim3A_928, %dot_general3A_936 {dimension_numbers = #tpu.dot_dimension_numbers<[1], [0], [0], [1], [0, 0, 1, 1], [], []>, transpose_lhs_hint = false} : vector<512x128xbf16>, vector<128x128xbf16>, vector<512x128xf32> -> vector<512x128xf32>
    %mul3A_938 = arith.constant 4.8828125E-4 : f32
    %mul3A_939 = vector.broadcast %mul3A_938 : f32 to vector<512x128xf32>
    %mul3A_940 = arith.mulf %dot_general3A_937, %mul3A_939 : vector<512x128xf32>
    %mul3A_941 = arith.mulf %mul3A_934, %mul3A_934 : vector<512x128xf32>
    %sub3A_942 = arith.subf %mul3A_940, %mul3A_941 : vector<512x128xf32>
    %mul3A_943 = arith.constant 1.600000e+01 : f32
    %mul3A_944 = vector.broadcast %mul3A_943 : f32 to vector<512x128xf32>
    %mul3A_945 = arith.mulf %mul3A_944, %mul3A_934 : vector<512x128xf32>
    %sub3A_946 = arith.subf %concatenate3A_605, %mul3A_945 : vector<512x128xf32>
    %add3A_947 = arith.constant 9.99999974E-6 : f32
    %add3A_948 = vector.broadcast %add3A_947 : f32 to vector<512x128xf32>
    %add3A_949 = arith.addf %sub3A_942, %add3A_948 : vector<512x128xf32>
    %rsqrt3A = math.rsqrt %add3A_949 : vector<512x128xf32>
    %mul3A_950 = arith.mulf %sub3A_946, %rsqrt3A : vector<512x128xf32>
    %swap3A = arith.constant 0 : index
    %swap3A_951 = arith.constant 0 : index
    %swap3A_952 = vector.load %arg5[%swap3A, %swap3A_951] : memref<512x128xf32, #tpu.memory_space<vmem>>, vector<512x128xf32>
    tpu.vector_store %arg5[%swap3A, %swap3A_951], %mul3A_950 {strides = array<i32>} : memref<512x128xf32, #tpu.memory_space<vmem>>, vector<512x128xf32>,
    return
  }
  func.func @transform_0(%arg0: i32) -> (i32, i32) {
    %c0_i32 = arith.constant 0 : i32
    %c0_i32_0 = arith.constant 0 : i32
    return %arg0, %c0_i32 : i32, i32
  }
  func.func @transform_1(%arg0: i32) -> (i32, i32, i32) {
    %c0_i32 = arith.constant 0 : i32
    %c0_i32_0 = arith.constant 0 : i32
    %c0_i32_1 = arith.constant 0 : i32
    return %arg0, %c0_i32, %c0_i32_0 : i32, i32, i32
  }
  func.func @transform_2(%arg0: i32) -> (i32, i32) {
    %c0_i32 = arith.constant 0 : i32
    %c0_i32_0 = arith.constant 0 : i32
    %c0_i32_1 = arith.constant 0 : i32
    return %c0_i32, %c0_i32_0 : i32, i32
  }
  func.func @transform_3(%arg0: i32) -> (i32, i32) {
    %c0_i32 = arith.constant 0 : i32
    %c0_i32_0 = arith.constant 0 : i32
    %c0_i32_1 = arith.constant 0 : i32
    return %c0_i32, %c0_i32_0 : i32, i32
  }
  func.func @transform_4(%arg0: i32) -> (i32, i32) {
    %c0_i32 = arith.constant 0 : i32
    %c0_i32_0 = arith.constant 0 : i32
    return %arg0, %c0_i32 : i32, i32
  }
}

</mosaic_0001>

<sc_bundles>
// kernel: kernel.4.cloned.1.call-start
scs
__scs_entry_jumppad:
0x0: {  	(pc) =	sbr.rel $0x88, $3  }
0x1: {  	(tag) =	ssettag $0x0;
	lr =	simm.s32 $0x1  }
0x2: {  	[smem:$0x3F9C] =	sst lr;
	_ =	strace $0xD0000000  }
0x3: {  	_ = 	snop  }
0x4: {  	_ = 	snop  }
0x5: {  	_ = 	snop  }
0x6: {  	_ = 	snop  }
0x7: {  	_ = 	snop  }
__scs_overlays_trampoline_lowered:
0x8: {  	[smem:$0x3FAB] =	sst s0  }
0x9: {  	[smem:$0x3FAC] =	sst s1  }
0xa: {  	[smem:$0x3FAD] =	sst s2  }
0xb: {  	[smem:$0x3FAE] =	sst s3  }
0xc: {  	[smem:$0x3FAF] =	sst s4  }
0xd: {  	[smem:$0x3FB0] =	sst s5  }
0xe: {  	[smem:$0x3FB1] =	sst s6  }
0xf: {  	[smem:$0x3FB2] =	sst s7  }
0x10: {  	[smem:$0x3FB3] =	sst s8  }
0x11: {  	[smem:$0x3FB4] =	sst s9;
	s0 =	simm.s32 @!p0 $0x0  }
0x12: {  	s1 =	sld [smem:$0x3F9A];
	s0 =	simm.s32 @p0 $0x1  }
0x13: {  	[smem:$0x3FB5] =	sst s0;
	s0 =	simm.s32 @!p1 $0x0  }
0x14: {  	s2 =	sld [smem:$0x3F99];
	s0 =	simm.s32 @p1 $0x1  }
0x15: {  	[smem:$0x3FB6] =	sst s0;
	s0 =	simm.s32 @!p2 $0x0  }
0x16: {  	s3 =	sld [smem:$0x3FDB];
	s0 =	simm.s32 @p2 $0x1  }
0x17: {  	s4 =	simm.s32 $0x1BF5;
	[smem:$0x3FB8] =	sst s0  }
0x18: {  	s0 =	sld [smem:$0x3F9B];
	_ =	swait.ge [sflag:s4], $0x0  }
0x19: {  	s7 =	sld [smem:$0x3F9C]  }
0x1a: {  	s8 =	sadd.s32 $0xFFFFE003, lr  }
0x1b: {  	s9 =	sadd.s32 $0xFFFFFEF7, lr;
	s5 =	simm.s32 $0xFFFFFFFF;
	p2 =	slt.u32 s8, $0xFFFFF086  }
0x1c: {  	p1 =	slt.u32 s9, $0xF7A;
	s5 =	simm.s32 @!p2 $0x0  }
0x1d: {  	s5 =	simm.s32 @p1 $0x1;
	p0 =	seq.s32 s7, s2  }
0x1e: {  	s7 =	smul.u32 @!p0 $0xF7A, s2;
	p2 =	seq.s32 @!p0 s5, $0x0  }
0x1f: {  	s9 =	smul.u32 $0xF7A, s1;
	s8 =	simm.s32 @!p0 $0x1BF5;
	p2 =	por !p2, p0  }
0x20: {  	[sflag:s8] =	ssyncset.s32 @!p0 $0xFFFFF086;
	s6 =	sadd.s32 @!p0 s3, s7;
	s7 =	simm.s32 @!p0 $0x108  }
0x21: {  	s3 =	sadd.s32 s3, s9;
	s6 =	sadd.s32 @!p0 $0x88, s6;
	s7 =	simm.s32 @p2 $0x1082  }
0x22: {  	[simem:s7], [sflag:s8] =	dma.local @!p0 [hbm:s6], $0xF7A  }
0x23: {  	s9 =	sor.u32 $0xD0000000, s2;
	s6 =	simm.s32 $0x108;
	_ =	swait.ge @!p0 [sflag:s8], $0x0  }
0x24: {  	s3 =	sadd.s32 $0x88, s3;
	s6 =	simm.s32 @!p1 $0x1082;
	[sflag:s4] =	ssyncset.s32 $0xFFFFF086  }
0x25: {  	[simem:s6], [sflag:s4] =	dma.local [hbm:s3], $0xF7A  }
0x26: {  	[smem:$0x3F9C] =	sst s1;
	(tag) =	ssettag s2;
	_ =	strace s9  }
0x27: {  	s1 =	sld [smem:$0x3FAC]  }
0x28: {  	s2 =	sld [smem:$0x3FAD]  }
0x29: {  	s4 =	sld [smem:$0x3FAF]  }
0x2a: {  	p0 =	seq.s32 s5, $0x0;
	s5 =	sld [smem:$0x3FB0]  }
0x2b: {  	s6 =	sld [smem:$0x3FB1]  }
0x2c: {  	s7 =	sld [smem:$0x3FB2]  }
0x2d: {  	s3 =	simm.s32 $0x108;
	s8 =	sld [smem:$0x3FB3]  }
0x2e: {  	s3 =	simm.s32 @!p0 $0x1082;
	s9 =	sld [smem:$0x3FB4]  }
0x2f: {  	lr =	sadd.s32 s0, s3;
	s0 =	sld [smem:$0x3FAB]  }
0x30: {  	s3 =	sld [smem:$0x3FAE]  }
0x31: {  	[smem:$0x3FB7] =	sst s10  }
0x32: {  	s10 =	sld [smem:$0x3FB5];
	_ =	sdelay $0x3  }
0x33: {  	p0 =	seq.s32 s10, $0x1;
	s10 =	sld [smem:$0x3FB7];
	_ =	sdelay $0x3  }
0x34: {  	[smem:$0x3FB7] =	sst s10  }
0x35: {  	s10 =	sld [smem:$0x3FB6];
	_ =	sdelay $0x3  }
0x36: {  	p1 =	seq.s32 s10, $0x1;
	s10 =	sld [smem:$0x3FB7];
	_ =	sdelay $0x3  }
0x37: {  	[smem:$0x3FB7] =	sst s10  }
0x38: {  	s10 =	sld [smem:$0x3FB8]  }
0x39: {  	_ = 	snop;
	(pc) =	sbr.ind lr, $3  }
0x3a: {  	_ = 	snop  }
0x3b: {  	_ = 	snop  }
0x3c: {  	p2 =	seq.s32 s10, $0x1;
	s10 =	sld [smem:$0x3FB7]  }
0x3d: {  	_ =	shalt  }
0x3e: {  	_ =	shalt  }
0x3f: {  	_ =	shalt  }
0x40: {  	_ =	shalt  }
0x41: {  	_ =	shalt  }
0x42: {  	_ =	shalt  }
0x43: {  	_ =	shalt  }
0x44: {  	_ =	shalt  }
0x45: {  	_ =	shalt  }
0x46: {  	_ =	shalt  }
0x47: {  	_ =	shalt  }
0x48: {  	_ =	shalt  }
0x49: {  	_ =	shalt  }
0x4a: {  	_ =	shalt  }
0x4b: {  	_ =	shalt  }
0x4c: {  	_ =	shalt  }
0x4d: {  	_ =	shalt  }
0x4e: {  	_ =	shalt  }
0x4f: {  	_ =	shalt  }
0x50: {  	_ =	shalt  }
0x51: {  	_ =	shalt  }
0x52: {  	_ =	shalt  }
0x53: {  	_ =	shalt  }
0x54: {  	_ =	shalt  }
0x55: {  	_ =	shalt  }
0x56: {  	_ =	shalt  }
0x57: {  	_ =	shalt  }
0x58: {  	_ =	shalt  }
0x59: {  	_ =	shalt  }
0x5a: {  	_ =	shalt  }
0x5b: {  	_ =	shalt  }
0x5c: {  	_ =	shalt  }
0x5d: {  	_ =	shalt  }
0x5e: {  	_ =	shalt  }
0x5f: {  	_ =	shalt  }
0x60: {  	_ =	shalt  }
0x61: {  	_ =	shalt  }
0x62: {  	_ =	shalt  }
0x63: {  	_ =	shalt  }
0x64: {  	_ =	shalt  }
0x65: {  	_ =	shalt  }
0x66: {  	_ =	shalt  }
0x67: {  	_ =	shalt  }
0x68: {  	_ =	shalt  }
0x69: {  	_ =	shalt  }
0x6a: {  	_ =	shalt  }
0x6b: {  	_ =	shalt  }
0x6c: {  	_ =	shalt  }
0x6d: {  	_ =	shalt  }
0x6e: {  	_ =	shalt  }
0x6f: {  	_ =	shalt  }
0x70: {  	_ =	shalt  }
0x71: {  	_ =	shalt  }
0x72: {  	_ =	shalt  }
0x73: {  	_ =	shalt  }
0x74: {  	_ =	shalt  }
0x75: {  	_ =	shalt  }
0x76: {  	_ =	shalt  }
0x77: {  	_ =	shalt  }
0x78: {  	_ =	shalt  }
0x79: {  	_ =	shalt  }
0x7a: {  	_ =	shalt  }
0x7b: {  	_ =	shalt  }
0x7c: {  	_ =	shalt  }
0x7d: {  	_ =	shalt  }
0x7e: {  	_ =	shalt  }
0x7f: {  	_ =	shalt  }
0x80: {  	_ =	shalt  }
0x81: {  	_ =	shalt  }
0x82: {  	_ =	shalt  }
0x83: {  	_ =	shalt  }
0x84: {  	_ =	shalt  }
0x85: {  	_ =	shalt  }
0x86: {  	_ =	shalt  }
0x87: {  	_ =	shalt  }
.Lfunc_end0:
.L_simem_size_0:
called_computation_lowered:
.L_overlay_start_0:
0x88: {  	s2 =	sld [smem:$0x3FD9]  }
0x89: {  	s3 =	sld [smem:$0x3FFE];
	_ =	sdelay $0x1  }
0x8a: {  	s1 =	srdreg.scid  }
0x8b: {  	s0 =	sand.u32 $0x1, s1  }
0x8c: {  	s17 =	sshll.u32 s0, $0xA;
	s2 =	sadd.s32 s3, s2  }
0x8d: {  	s2 =	sadd.s32 s2, s17  }
0x8e: {  	[smem:$0x3FC3] =	sst s2  }
0x8f: {  	_ = 	snop  }
0x90: {  	s2 =	sld [smem:$0x3FC9]  }
0x91: {  	s18 =	sld [smem:$0x3FD0];
	(tm) =	ssettm $0x1  }
0x92: {  	s4 =	sld [smem:$0x3FFB];
	_ =	sdelay $0x3  }
0x93: {  	_ =	strace s4  }
0x94: {  	s4 =	sld [smem:$0x3FFC];
	_ =	sdelay $0x3  }
0x95: {  	_ =	strace s4  }
0x96: {  	s4 =	sld [smem:$0x3FFD];
	_ =	sdelay $0x3  }
0x97: {  	_ =	strace s4  }
0x98: {  	_ =	strace $0x8FFFFFFF  }
0x99: {  	s19 =	sld [smem:$0x3FDB];
	_ =	sdelay $0x1  }
0x9a: {  	s5 =	simm.s32 $_scs_section_size  }
0x9b: {  	s6 =	simm.s32 $_size__tile_overlayer_lowered;
	s7 =	simm.s32 $_tile_overlayer_lowered  }
0x9c: {  	s22 =	simm.s32 $0x1BFF;
	s21 =	sshll.u32 s7, $0x1;
	s4 =	sadd.s32 s5, s19  }
0x9d: {  	s8 =	simm.s32 $0x0;
	s20 =	sshll.u32 s6, $0x1;
	s6 =	sadd.s32 s21, s4  }
0x9e: {  	[timem:s8], [sflag:s22] =	dma.local [hbm:s6], s20  }
0x9f: {  	_ =	swait.ge [sflag:s22], s20  }
0xa0: {  	s5 =	ssub.s32 $0x0, s20;
	[sflag:s22] =	ssyncset.done $0x0  }
0xa1: {  	[sflag:s22] =	ssyncadd.s32 s5;
	_ =	sdelay $0x1  }
0xa2: {  	s23 =	simm.s32 $0x1B8B  }
0xa3: {  	_ =	swait.ge [sflag:s23], $0x1  }
0xa4: {  	[sflag:s23] =	ssyncset.done $0x0  }
0xa5: {  	s25 =	simm.s32 $0x1B8E;
	s24 =	sld [smem:$0x3FFE];
	[sflag:s23] =	ssyncadd.s32 $0xFFFFFFFF  }
0xa6: {  	s26 =	simm.s32 $execute0_lowered;
	[smem:$0x3FD2] =	sst s25  }
0xa7: {  	s6 =	sshll.u32 s26, $0x1;
	_ =	strace $0x80000046;
	[dreg:$0x1] =	wrdreg $0xFFFFFFFF  }
0xa8: {  	s28 =	simm.s32 $_size_execute0_lowered;
	s4 =	sadd.s32 s4, s6;
	[dreg:$0x0] =	wrdreg $0x0  }
0xa9: {  	s6 =	sshll.u32 s28, $0x1;
	[dreg:$0x2] =	wrdreg s4  }
0xaa: {  	[dreg:$0x3] =	wrdreg s6  }
0xab: {  	[dreg:$0x4] =	wrdreg $0xC0  }
0xac: {  	_ =	task [dreg:s8], $0x5FFFF  }
0xad: {  	[dreg:$0x1] =	wrdreg $0xFFFFFFFF  }
0xae: {  	[dreg:$0x0] =	wrdreg $0x60  }
0xaf: {  	[dreg:$0x2] =	wrdreg s2  }
0xb0: {  	[dreg:$0x3] =	wrdreg s18  }
0xb1: {  	[dreg:$0x4] =	wrdreg s24  }
0xb2: {  	[dreg:$0x5] =	wrdreg $0x9  }
0xb3: {  	_ =	task.clear_ibuf [dreg:s8], $0x6FFFF;
	_ =	strace $0x90000046  }
0xb4: {  	s29 =	simm.s32 $0x9;
	_ =	strace $0x8000004F  }
0xb5: {  	_ =	swait.ge [sflag:s29], $0x1  }
0xb6: {  	[sflag:s29] =	ssyncadd.s32 $0xFFFFFFFF  }
0xb7: {  	_ =	strace $0x9000004F  }
0xb8: {  	_ =	sfence  }
0xb9: {  	s30 =	sld [smem:$0x0];
	_ =	sdelay $0x2  }
0xba: {  	s31 =	sshll.u32 s1, $0xD;
	s1 =	sshrl.u32 s1, $0x2  }
0xbb: {  	s3 =	sand.u32 $0x4000, s31;
	s1 =	sadd.s32 s1, s30  }
0xbc: {  	s0 =	sor.u32 s3, s0;
	s1 =	sshll.u32 s1, $0x11  }
0xbd: {  	s0 =	sor.u32 s1, s0  }
0xbe: {  	s0 =	sadd.s32 $0x8F2B, s0  }
0xbf: {  	[sflag:s0] =	ssyncadd.remote.s32 $0x1  }
0xc0: {  	_ =	sfence.sel $0xFFFF  }
0xc1: {  	[dreg:$0x0] =	wrdreg $0xFFFFFFFF;
	(pc) =	sbr.abs _section_cstart, $3  }
0xc2: {  	[dreg:$0x1] =	wrdreg $0xFFFFFFFF  }
0xc3: {  	_ =	task.clear_ibuf [dreg:s8], $0x2FFFF;
	_ =	strace $0x9FFFFFFF  }
0xc4: {  	(tm) =	ssettm $0x7FFFFFFF  }
0xc5: {  	_ =	shalt  }
tec
execute0_lowered:
.L_overlay_start_1:
0x0: {  	(tag) =	ssettag $0x1  }
0x1: {  	s0 =	rddreg [dreg:$0x0]  }
0x2: {  	s1 =	rddreg [dreg:$0x1]  }
0x3: {  	s4 =	rddreg [dreg:$0x2];
	s2 =	simm.s32 $0x0  }
0x4: {  	s3 =	srdreg.scid;
	s8 =	simm.s32 $0x100;
	[dreg:$0x4] =	wrdreg s0  }
0x5: {  	s9 =	simm.s32 $0x4;
	s10 =	simm.s32 $0x0;
	s0 =	rddreg [dreg:$0x3]  }
0x6: {  	[smem:$0x7FF] =	sst s2;
	s5 =	sand.u32 $0x1, s3;
	s4 =	sadd.s32 $0xA00, s4  }
0x7: {  	s3 =	stileid.u32;
	_ =	strace $0x80000047;
	[dreg:$0x6] =	wrdreg s4  }
0x8: {  	s6 =	ssub.s32 $0x2, s5;
	s5 =	sshll.u32 s5, $0x4;
	[dreg:$0x5] =	wrdreg s8  }
0x9: {  	s8 =	simm.s32 $0x5;
	s7 =	sshrl.u32 s6, $0x1;
	s5 =	sor.u32 s3, s5  }
0xa: {  	s6 =	ssub.s32 s6, s7;
	s31 =	sshll.u32 s5, $0x8;
	s4 =	sshll.u32 s5, $0x3  }
0xb: {  	s7 =	simm.s32 $0x1;
	s5 =	sadd.s32 s1, s31;
	s6 =	smax.u32 s6, $0x1  }
.LBB2_1:
0xc: {  	_ =	strace $0x80000048;
	s11 =	simm.s32 $0x1;
	p0 =	por $0x0, $0x0  }
0xd: {  	[tilespmem:s2], [sflag:$0x1] =	stream.linear.gather [hbm4b:s5+s2], $0x100, $0x200038;
	[tilespmem:$0x10200] =	vst v63  }
0xe: {  	s11 =	simm.s32 @p0 $0x0  }
0xf: {  	p4 =	por $0x1, $0x1;
	s20 =	sand.u32 $0x1, s2;
	p1 =	sne.s32 s11, $0x0  }
0x10: {  	p2 =	por $0x1, $0x1;
	s18 =	simm.s32 $0x6;
	p0 =	por !p4, !p1  }
0x11: {  	s16 =	simm.s32 $0x0;
	p5 =	por $0x0, $0x0;
	p0 =	por !p0, !p0  }
0x12: {  	s23 =	sadd.s32 $0x0, s4;
	s30 =	sadd.s32 $0x1, s20;
	s12 =	sadd.s32 @p0 s4, s11  }
0x13: {  	_ =	strace $0x90000048;
	s13 =	sand.u32 @p0 $0x1, s7;
	s12 =	sshll.u32 @p0 s12, $0x5  }
0x14: {  	_ =	strace @p0 $0x80000049;
	s15 =	simm.s32 @p0 $0x0;
	s12 =	sand.u32 @p0 $0x1FFFFFE0, s12  }
0x15: {  	s14 =	sshll.u32 @p0 s13, $0x8;
	s13 =	sadd.s32 @p0 $0x1, s13;
	s12 =	sadd.s32 @p0 s1, s12  }
0x16: {  	[tilespmem:s14], [sflag:s13] =	stream.linear.gather @p0 [hbm4b:s12+s15], $0x100, $0x200038;
	[tilespmem:$0x10200] =	vst v63  }
0x17: {  	p3 =	por p2, p2;
	s21 =	sshll.u32 s20, $0xF;
	_ =	strace @p0 $0x90000049  }
0x18: {  	s16 =	sand.u32 $0x100, s16;
	p2 =	por p5, p5;
	_ =	strace $0x8000004A  }
0x19: {  	s17 =	sadd.s32 $0x1, s11;
	s22 =	sor.u32 $0x200, s21;
	_ =	swait.ge [sflag:s30], $0x100  }
0x1a: {  	s21 =	simm.s32 $0x1;
	p6 =	por p1, p1;
	[sflag:s30] =	ssyncset.done $0x0  }
0x1b: {  	p1 =	por p3, p3;
	p4 =	por $0x1, $0x1;
	[sflag:s30] =	ssyncadd.s32 $0xFFFFFF00  }
0x1c: {  	s12 =	simm.s32 $0x7;
	s15 =	sand.u32 @!p3 $0x1, s2;
	_ =	strace $0x9000004A  }
0x1d: {  	s13 =	simm.s32 $0x1;
	p3 =	seq.s32 s17, $0x8;
	_ =	strace $0x8000004B  }
0x1e: {  	s13 =	simm.s32 @!p0 $0x0;
	s17 =	simm.s32 @p3 $0x0;
	s19 =	rddreg [dreg:$0x5]  }
0x1f: {  	p0 =	por $0x0, $0x0;
	s14 =	sadd.s32 $0x1, s13;
	s31 =	rddreg [dreg:$0x4]  }
0x20: {  	[tilespmem:s22], [sflag:$0x5] =	stream.indirect.gather [hbm4b:s31+s19], $0x80, s16, s19, $0x2000b8;
	[tilespmem:$0x10200] =	vst v63  }
0x21: {  	p3 =	sne.s32 s11, s17;
	s21 =	simm.s32 @!p0 $0x0;
	_ =	swait.ge [sflag:s8], $0x8000  }
0x22: {  	p5 =	por !p4, !p3;
	p4 =	por $0x0, $0x0;
	[sflag:s8] =	ssyncset.done $0x0  }
0x23: {  	s13 =	simm.s32 $0x0;
	p6 =	por p4, p6;
	[sflag:s8] =	ssyncadd.s32 $0xFFFF8000  }
0x24: {  	s16 =	simm.s32 $0x0;
	s19 =	simm.s32 $0x0;
	_ =	strace $0x9000004B  }
.LBB2_2:
0x25: {  	_ =	strace @p6 $0x8000004C;
	s13 =	sadd.s32 s21, s13;
	s21 =	smov.u32 s12  }
0x26: {  	s12 =	smov.u32 s18;
	s18 =	sadd.s32 $0xFFFFFFFF, s18;
	p0 =	por p3, p3  }
0x27: {  	s28 =	sshll.u32 @p6 s23, $0xC;
	s20 =	sadd.s32 @p6 $0x3, s20;
	s24 =	simm.s32 @!p0 $0x0  }
0x28: {  	s25 =	rddreg [dreg:$0x6];
	s28 =	sand.u32 @p6 $0x1FFFF000, s28;
	s24 =	simm.s32 @p0 $0x1  }
0x29: {  	s25 =	sadd.s32 @p6 s25, s28;
	s28 =	simm.s32 @p6 $0x0;
	p0 =	sne.s32 s18, $0x0  }
0x2a: {  	[hbm4b:s25+s28] =	stream.linear.scatter @p6 [tilespmem:s22], [sflag:s20], $0x8000, $0x200038;
	[tilespmem:$0x10200] =	vst v63  }
0x2b: {  	s20 =	sadd.s32 @!p1 $0x3, s15;
	s15 =	simm.s32 @!p0 $0x0  }
0x2c: {  	s26 =	simm.s32 $0x1;
	[smem:$0x7FC] =	sst s24;
	s15 =	simm.s32 @p0 $0x1  }
0x2d: {  	s26 =	simm.s32 @!p6 $0x0;
	_ =	strace @p6 $0x9000004C;
	[smem:$0x7FD] =	sst s15  }
0x2e: {  	p5 =	por !p5, !p5;
	s19 =	sadd.s32 s26, s19;
	_ =	strace @!p1 $0x8000004D  }
0x2f: {  	s24 =	sand.u32 @!p2 $0x1, s13;
	s22 =	sand.u32 @p5 $0x1, s14;
	_ =	swait.ge @!p1 [sflag:s20], $0x8000  }
0x30: {  	s15 =	smov.u32 s24;
	s24 =	sadd.s32 @p5 s4, s17;
	[sflag:s20] =	ssyncset.done @!p1 $0x0  }
0x31: {  	s25 =	sshll.u32 @p5 s22, $0x8;
	s24 =	sshll.u32 @p5 s24, $0x5;
	[sflag:s20] =	ssyncadd.s32 @!p1 $0xFFFF8000  }
0x32: {  	s20 =	sadd.s32 @p5 $0x1, s22;
	s22 =	sand.u32 @p5 $0x1FFFFFE0, s24;
	_ =	strace @!p1 $0x9000004D  }
0x33: {  	s24 =	simm.s32 @p5 $0x0;
	s22 =	sadd.s32 @p5 s1, s22;
	_ =	strace @p5 $0x80000049  }
0x34: {  	[tilespmem:s25], [sflag:s20] =	stream.linear.gather @p5 [hbm4b:s22+s24], $0x100, $0x200038;
	[tilespmem:$0x10200] =	vst v63  }
0x35: {  	s16 =	sadd.s32 s26, s16;
	s26 =	sand.u32 $0x1, s19;
	_ =	strace @p5 $0x90000049  }
0x36: {  	s24 =	sadd.s32 $0x1, s26;
	_ =	strace $0x8000004A  }
0x37: {  	_ =	swait.ge [sflag:s24], $0x100  }
0x38: {  	[sflag:s24] =	ssyncset.done $0x0  }
0x39: {  	s20 =	simm.s32 $0x1;
	[sflag:s24] =	ssyncadd.s32 $0xFFFFFF00  }
0x3a: {  	s20 =	simm.s32 @!p5 $0x0;
	_ =	strace $0x9000004A  }
0x3b: {  	s14 =	sadd.s32 s20, s14;
	s20 =	sand.u32 $0x1, s16;
	_ =	strace $0x8000004B  }
0x3c: {  	s29 =	sshll.u32 s19, $0x8;
	s25 =	sshll.u32 s20, $0xF;
	s26 =	rddreg [dreg:$0x5]  }
0x3d: {  	s29 =	sand.u32 $0x100, s29;
	s22 =	sor.u32 $0x200, s25;
	s30 =	rddreg [dreg:$0x4]  }
0x3e: {  	[tilespmem:s22], [sflag:$0x5] =	stream.indirect.gather [hbm4b:s30+s26], $0x80, s29, s26, $0x2000b8;
	[tilespmem:$0x10200] =	vst v63  }
0x3f: {  	_ =	swait.ge [sflag:s8], $0x8000  }
0x40: {  	s31 =	sadd.s32 $0x1, s17;
	[sflag:s8] =	ssyncset.done $0x0  }
0x41: {  	s23 =	sadd.s32 s4, s11;
	s11 =	smov.u32 s17;
	[sflag:s8] =	ssyncadd.s32 $0xFFFF8000  }
0x42: {  	p3 =	seq.s32 s31, $0x8;
	s17 =	smov.u32 s31;
	_ =	strace $0x9000004B  }
0x43: {  	s17 =	simm.s32 @p3 $0x0;
	s31 =	sld [smem:$0x7FD]  }
0x44: {  	p6 =	sne.s32 s12, $0x1;
	p0 =	sne.s32 s21, $0x8;
	p3 =	sne.s32 s11, s17  }
0x45: {  	p5 =	por !p6, !p3;
	p6 =	seq.s32 s21, $0x1;
	s21 =	simm.s32 $0x1  }
0x46: {  	s21 =	simm.s32 @!p0 $0x0;
	p0 =	seq.s32 s31, $0x1  }
.Ltmp0:
0x47: {  	s30 =	sld [smem:$0x7FC];
	(pc) =	sbr.rel @p0 .LBB2_2-.Ltmp0, $4  }
0x48: {  	_ = 	snop  }
0x49: {  	p4 =	seq.s32 s12, $0x8  }
0x4a: {  	p1 =	por p2, p2;
	p2 =	por p4, p4;
	p4 =	seq.s32 s30, $0x1  }
0x4b: {  	p6 =	por p6, p4  }
0x4c: {  	_ =	strace @p6 $0x8000004C;
	s23 =	sshll.u32 @p6 s23, $0xC  }
0x4d: {  	s18 =	rddreg [dreg:$0x6];
	s23 =	sand.u32 @p6 $0x1FFFF000, s23  }
0x4e: {  	s20 =	sadd.s32 @p6 $0x3, s20;
	s18 =	sadd.s32 @p6 s18, s23;
	s23 =	simm.s32 @p6 $0x0  }
0x4f: {  	[hbm4b:s18+s23] =	stream.linear.scatter @p6 [tilespmem:s22], [sflag:s20], $0x8000, $0x200038;
	[tilespmem:$0x10200] =	vst v63  }
0x50: {  	p0 =	por !p5, !p5;
	_ =	strace @p6 $0x9000004C  }
0x51: {  	s15 =	sadd.s32 @!p1 $0x3, s15;
	s17 =	sadd.s32 @p0 s4, s17;
	_ =	strace @!p1 $0x8000004D  }
0x52: {  	s14 =	sand.u32 @p0 $0x1, s14;
	s17 =	sshll.u32 @p0 s17, $0x5;
	_ =	swait.ge @!p1 [sflag:s15], $0x8000  }
0x53: {  	s18 =	simm.s32 $0x1;
	s20 =	sshll.u32 @p0 s14, $0x8;
	[sflag:s15] =	ssyncset.done @!p1 $0x0  }
0x54: {  	s14 =	sadd.s32 @p0 $0x1, s14;
	s18 =	simm.s32 @!p6 $0x0;
	[sflag:s15] =	ssyncadd.s32 @!p1 $0xFFFF8000  }
0x55: {  	s19 =	sadd.s32 s18, s19;
	s15 =	sand.u32 @p0 $0x1FFFFFE0, s17;
	_ =	strace @!p1 $0x9000004D  }
0x56: {  	s17 =	simm.s32 @p0 $0x0;
	s15 =	sadd.s32 @p0 s1, s15;
	_ =	strace @p0 $0x80000049  }
0x57: {  	[tilespmem:s20], [sflag:s14] =	stream.linear.gather @p0 [hbm4b:s15+s17], $0x100, $0x200038;
	[tilespmem:$0x10200] =	vst v63  }
0x58: {  	s25 =	sand.u32 $0x1, s19;
	_ =	strace @p0 $0x90000049  }
0x59: {  	s14 =	sadd.s32 $0x1, s25;
	_ =	strace $0x8000004A  }
0x5a: {  	_ =	swait.ge [sflag:s14], $0x100  }
0x5b: {  	[sflag:s14] =	ssyncset.done $0x0  }
0x5c: {  	[sflag:s14] =	ssyncadd.s32 $0xFFFFFF00  }
0x5d: {  	s26 =	sadd.s32 s18, s16;
	_ =	strace $0x9000004A  }
0x5e: {  	s14 =	sand.u32 $0x1, s26;
	_ =	strace $0x8000004B  }
0x5f: {  	s30 =	sshll.u32 s19, $0x8;
	s31 =	sshll.u32 s14, $0xF;
	s28 =	rddreg [dreg:$0x5]  }
0x60: {  	s17 =	sand.u32 $0x100, s30;
	s18 =	sor.u32 $0x200, s31;
	s29 =	rddreg [dreg:$0x4]  }
0x61: {  	[tilespmem:s18], [sflag:$0x5] =	stream.indirect.gather [hbm4b:s29+s28], $0x80, s17, s28, $0x2000b8;
	[tilespmem:$0x10200] =	vst v63  }
0x62: {  	_ =	swait.ge [sflag:s8], $0x8000  }
0x63: {  	[sflag:s8] =	ssyncset.done $0x0  }
0x64: {  	p5 =	por p3, p3;
	p6 =	seq.s32 s12, $0x1;
	[sflag:s8] =	ssyncadd.s32 $0xFFFF8000  }
0x65: {  	s11 =	sadd.s32 s4, s11;
	p0 =	por p6, p5;
	_ =	strace $0x9000004B  }
0x66: {  	s11 =	sshll.u32 @p0 s11, $0xC;
	_ =	strace @p0 $0x8000004C  }
0x67: {  	s13 =	sadd.s32 s21, s13;
	s11 =	sand.u32 @p0 $0x1FFFF000, s11;
	s12 =	rddreg [dreg:$0x6]  }
0x68: {  	s14 =	sadd.s32 @p0 $0x3, s14;
	s11 =	sadd.s32 @p0 s12, s11;
	s12 =	simm.s32 @p0 $0x0  }
0x69: {  	[hbm4b:s11+s12] =	stream.linear.scatter @p0 [tilespmem:s18], [sflag:s14], $0x8000, $0x200038;
	[tilespmem:$0x10200] =	vst v63  }
0x6a: {  	p1 =	por p2, p2;
	s11 =	sand.u32 @!p2 $0x1, s13;
	_ =	strace @p0 $0x9000004C  }
0x6b: {  	s11 =	sadd.s32 @!p1 $0x3, s11;
	_ =	strace @!p1 $0x8000004D  }
0x6c: {  	_ =	swait.ge @!p1 [sflag:s11], $0x8000  }
0x6d: {  	[sflag:s11] =	ssyncset.done @!p1 $0x0  }
0x6e: {  	s10 =	sadd.s32 $0x1, s10;
	[sflag:s11] =	ssyncadd.s32 @!p1 $0xFFFF8000  }
0x6f: {  	p0 =	sne.s32 s10, s6;
	_ =	strace @!p1 $0x9000004D  }
.Ltmp1:
0x70: {  	_ =	strace $0x8000004E;
	(pc) =	sbr.rel @p0 .LBB2_1-.Ltmp1, $4  }
0x71: {  	_ =	swait.ge [sflag:s9], $0x8000  }
0x72: {  	[sflag:s9] =	ssyncset.done $0x0  }
0x73: {  	[sflag:s9] =	ssyncadd.s32 $0xFFFF8000  }
0x74: {  	_ =	strace $0x9000004E  }
0x75: {  	_ =	sfence.sel $0x180000  }
0x76: {  	[bflag:$0x0] =	sbarrier.arrive $0xFFFF  }
0x77: {  	p0 =	sne.s32 s3, $0x0;
	_ =	strace $0x90000047  }
0x78: {  	s0 =	sadd.s32 @!p0 $0x100000, s0;
	[bflag:$0x2] =	sbarrier.arrive $0xFFFF  }
0x79: {  	[sflag:s0] =	ssyncadd.tile.s32 @!p0 $0x1;
	_ =	shalt  }
.Lfunc_end2:
_tile_overlayer_lowered:
.L_overlay_start_2:
0x7a: {  	(tag) =	ssettag $0x2  }
0x7b: {  	s0 =	rddreg [dreg:$0x0];
	s2 =	stileid.u32  }
0x7c: {  	s1 =	rddreg [dreg:$0x1];
	p0 =	sne.s32 s2, $0x0  }
0x7d: {  	s3 =	rddreg [dreg:$0x2];
	[bflag:$0x3] =	sbarrier.arrive $0xFFFF;
	s2 =	simm.s32 @!p0 $0x1C01  }
0x7e: {  	[timem:s3], [sflag:s2] =	dma.local @!p0 [hbm:s0], s1  }
0x7f: {  	s0 =	simm.s32 @!p0 $0x1  }
0x80: {  	_ =	swait.ge @!p0 [sflag:s0], s1  }
0x81: {  	s1 =	ssub.s32 @!p0 $0x0, s1;
	[sflag:s0] =	ssyncset.done @!p0 $0x0  }
0x82: {  	[sflag:s0] =	ssyncadd.s32 @!p0 s1  }
0x83: {  	[bflag:$0x3] =	sbarrier.arrive $0xFFFF  }
0x84: {  	_ =	shalt  }

</sc_bundles>
